<compile_context>
chip_gen: v7x
topology: tpu7x:2x2x1
jax: 0.10.2.dev20260603
libtpu: 0.0.44.dev20260713+nightly
codegen_flags: <defaults>
</compile_context>

<pallas_src>
import functools

import jax
import jax.numpy as jnp
from jax import lax
from jax.experimental import pallas as pl
from jax.experimental.pallas import tpu as pltpu
from jax.experimental.pallas import tpu_sc as plsc

_BN = 256
_BK = 256


def _dist_argmin_body(zsq_ref, esq_ref, z_ref, e_ref, idx_ref, d2_ref):
    bn = z_ref.shape[0]
    k_total = e_ref.shape[0]
    nk = k_total // _BK
    zb = z_ref[...]
    zsq = zsq_ref[0, 0, :][:, None]
    run_min = jnp.full((bn, _BK), jnp.inf, dtype=jnp.float32)
    run_k = jnp.zeros((bn, _BK), dtype=jnp.int32)
    for k in range(nk):
        e_chunk = e_ref[k * _BK:(k + 1) * _BK, :]
        esq = esq_ref[0, 0, k * _BK:(k + 1) * _BK][None, :]
        scores = lax.dot_general(
            zb, e_chunk, (((1,), (1,)), ((), ())),
            preferred_element_type=jnp.float32)
        d2 = (zsq + esq) - 2.0 * scores
        c = jnp.maximum(d2, 0.0)
        dist = c * lax.rsqrt(c)
        dist = jnp.where(c == 0.0, 0.0, dist)
        better = dist < run_min
        run_k = jnp.where(better, k, run_k)
        run_min = jnp.minimum(run_min, dist)
    lane = lax.broadcasted_iota(jnp.int32, (bn, _BK), 1)
    gidx = run_k * _BK + lane
    m = jnp.min(run_min, axis=1, keepdims=True)
    idx = jnp.min(jnp.where(run_min == m, gidx, k_total),
                  axis=1, keepdims=True)
    idx_ref[0, 0, :] = idx[:, 0]
    d2_ref[0, 0, :] = (m * m)[:, 0]


def _dist_argmin(z_flat, z_sq, e_sq, embeddings):
    n, c = z_flat.shape
    k_total = embeddings.shape[0]
    nb = n // _BN
    zsq3 = z_sq.reshape(nb, 1, _BN)
    esq3 = e_sq.reshape(1, 1, k_total)
    idx, d2 = pl.pallas_call(
        _dist_argmin_body,
        grid=(nb,),
        in_specs=[
            pl.BlockSpec((1, 1, _BN), lambda i: (i, 0, 0)),
            pl.BlockSpec((1, 1, k_total), lambda i: (0, 0, 0)),
            pl.BlockSpec((_BN, c), lambda i: (i, 0)),
            pl.BlockSpec((k_total, c), lambda i: (0, 0)),
        ],
        out_specs=[
            pl.BlockSpec((1, 1, _BN), lambda i: (i, 0, 0)),
            pl.BlockSpec((1, 1, _BN), lambda i: (i, 0, 0)),
        ],
        out_shape=[
            jax.ShapeDtypeStruct((nb, 1, _BN), jnp.int32),
            jax.ShapeDtypeStruct((nb, 1, _BN), jnp.float32),
        ],
        compiler_params=pltpu.CompilerParams(
            dimension_semantics=("parallel",)),
    )(zsq3, esq3, z_flat, embeddings)
    return idx.reshape(n), d2.reshape(n)


def _sc_gather(embeddings, idx):
    n = idx.shape[0]
    c = embeddings.shape[1]
    info = plsc.get_sparse_core_info()
    nw = info.num_cores * info.num_subcores
    b_per_w = n // nw
    mesh = plsc.VectorSubcoreMesh(core_axis_name="c", subcore_axis_name="s")

    @functools.partial(
        pl.kernel, mesh=mesh,
        out_type=jax.ShapeDtypeStruct((n, c), jnp.float32),
        scratch_types=[
            pltpu.VMEM((b_per_w,), jnp.int32),
            pltpu.VMEM((b_per_w, c), jnp.float32),
            pltpu.SemaphoreType.DMA,
        ],
    )
    def gather_kernel(table_hbm, idx_hbm, out_hbm, idx_v, rows_v, sem):
        wid = lax.axis_index("s") * info.num_cores + lax.axis_index("c")
        base = wid * b_per_w
        pltpu.sync_copy(idx_hbm.at[pl.ds(base, b_per_w)], idx_v)
        pltpu.async_copy(table_hbm.at[idx_v], rows_v, sem).wait()
        pltpu.sync_copy(rows_v, out_hbm.at[pl.ds(base, b_per_w)])

    return gather_kernel(embeddings, idx)


def kernel(z, embeddings):
    bs, h, w, d, c = z.shape
    z_flat = z.reshape(-1, c)
    z_sq = jnp.sum(z_flat ** 2, axis=1, keepdims=True)
    e_sq = jnp.sum(embeddings ** 2, axis=1)
    idx, d2min = _dist_argmin(z_flat, z_sq, e_sq, embeddings)
    q_flat = _sc_gather(embeddings, idx)
    quantized = q_flat.reshape(bs, h, w, d, c)
    loss = jnp.sum(d2min) / z.size
    quantized_st = z + lax.stop_gradient(quantized - z)
    encoding_indices = idx.reshape(bs, h, w, d)
    return (quantized_st, loss, loss, encoding_indices)

# --- scband reference (transcript-rebuilt; emitter-appended) ---
"""Pipeline reference for scband-vector-quantizer-61710090109133 (READ-ONLY COPY).

The authoritative reference and input builder live on the scoring server;
editing this copy changes nothing except your own understanding.
"""

import jax, jax.numpy as jnp
import numpy as np

NUM_EMBEDDINGS = 8192
EMBEDDING_DIM = 256

def setup_inputs(seed: int = 0) -> dict:
    key = jax.random.key(seed)
    k1, k2 = jax.random.split(key)
    z = jax.random.normal(k1, (2, 16, 16, 8, EMBEDDING_DIM), dtype=jnp.float32)
    embeddings = jax.random.uniform(
        k2, (NUM_EMBEDDINGS, EMBEDDING_DIM), dtype=jnp.float32,
        minval=-1.0 / NUM_EMBEDDINGS, maxval=1.0 / NUM_EMBEDDINGS)
    return {"z": z, "embeddings": embeddings}

def reference(z, embeddings):
    bs, h, w, d, c = z.shape
    z_flat = z.reshape(-1, c)
    # torch.cdist (p=2): euclidean distances via expanded quadratic form
    z_sq = jnp.sum(z_flat ** 2, axis=1, keepdims=True)            # [N, 1]
    e_sq = jnp.sum(embeddings ** 2, axis=1)[None, :]              # [1, K]
    d2 = z_sq + e_sq - 2.0 * (z_flat @ embeddings.T)              # [N, K]
    distances = jnp.sqrt(jnp.maximum(d2, 0.0))
    encoding_indices = jnp.argmin(distances, axis=1)              # [N]
    quantized = jnp.take(embeddings, encoding_indices, axis=0).reshape(bs, h, w, d, c)
    encoding_indices = encoding_indices.reshape(bs, h, w, d)
    commitment_loss = jnp.mean((z - jax.lax.stop_gradient(quantized)) ** 2)
    vq_loss = jnp.mean((quantized - jax.lax.stop_gradient(z)) ** 2)
    quantized_st = z + jax.lax.stop_gradient(quantized - z)
    return (quantized_st, vq_loss, commitment_loss, encoding_indices)

if __name__ == "__main__":
    import jax
    _d = setup_inputs()
    print(jax.jit(kernel)(*tuple(_d.values())))

</pallas_src>

<mosaic_0001>
#map = affine_map<(d0, d1) -> (0, 0)>
#map1 = affine_map<(d0, d1) -> (0)>
module attributes {stable_mosaic.version = 14 : i64} {
  func.func @gather_kernel(%arg0: i32, %arg1: i32, %arg2: memref<8192x256xf32, #tpu.memory_space<hbm>>, %arg3: memref<4096xi32, #tpu.memory_space<hbm>>, %arg4: memref<4096x256xf32, #tpu.memory_space<hbm>>, %arg5: memref<128xi32, #tpu.memory_space<vmem>>, %arg6: memref<128x256xf32, #tpu.memory_space<vmem>>, %arg7: memref<!tpu.dma_semaphore, #tpu.memory_space<semaphore_mem>>) attributes {dimension_semantics = [#tpu.dimension_semantics<core_parallel>, #tpu.dimension_semantics<subcore_parallel>], iteration_bounds = array<i64: 2, 16>, scalar_prefetch = 0 : i64, scratch_operands = 3 : i64, tpu.core_type = #tpu.core_type<sc_vector_subcore>, window_params = [{transform_indices = #map}, {transform_indices = #map1}, {transform_indices = #map}]} {
    %mul3A = arith.constant 2 : i32
    %mul3A_0 = arith.muli %arg1, %mul3A : i32
    %add3A = arith.addi %mul3A_0, %arg0 : i32
    %mul3A_1 = arith.constant 128 : i32
    %mul3A_2 = arith.muli %add3A, %mul3A_1 : i32
    "tpu.region"() ({
      %run_scoped3A = tpu.sem_alloc : memref<!tpu.dma_semaphore, #tpu.memory_space<semaphore_mem>>
      %dma_start3A_7 = tpu.memref_slice %arg3[%mul3A_2] : memref<4096xi32, #tpu.memory_space<hbm>> -> memref<128xi32, #tpu.memory_space<hbm>>
      %dma_start3A_8 = tpu.memref_slice %arg3[%mul3A_2] : memref<4096xi32, #tpu.memory_space<hbm>> -> memref<128xi32, #tpu.memory_space<hbm>>
      tpu.enqueue_dma source(%dma_start3A_8 : memref<128xi32, #tpu.memory_space<hbm>>) target(%arg5 : memref<128xi32, #tpu.memory_space<vmem>>) target_semaphore(%run_scoped3A : memref<!tpu.dma_semaphore, #tpu.memory_space<semaphore_mem>>)
      %dma_wait3A_9 = tpu.memref_slice %arg3[%mul3A_2] : memref<4096xi32, #tpu.memory_space<hbm>> -> memref<128xi32, #tpu.memory_space<hbm>>
      %dma_wait3A_10 = tpu.memref_slice %arg3[%mul3A_2] : memref<4096xi32, #tpu.memory_space<hbm>> -> memref<128xi32, #tpu.memory_space<hbm>>
      tpu.wait_dma2 semaphore(%run_scoped3A : memref<!tpu.dma_semaphore, #tpu.memory_space<semaphore_mem>>) src(%dma_wait3A_10 : memref<128xi32, #tpu.memory_space<hbm>>) dst(%arg5 : memref<128xi32, #tpu.memory_space<vmem>>)
      tpu.yield
    }) : () -> ()
    %dma_start3A = arith.constant 0 : i32
    %dma_start3A_3 = arith.constant 0 : i32
    %dma_start3A_4 = tpu.memref_slice %arg2[%dma_start3A, %dma_start3A_3] : memref<8192x256xf32, #tpu.memory_space<hbm>> -> memref<8192x256xf32, #tpu.memory_space<hbm>>
    tpu.enqueue_indirect_dma source(%dma_start3A_4 : memref<8192x256xf32, #tpu.memory_space<hbm>>) target(%arg6 : memref<128x256xf32, #tpu.memory_space<vmem>>) offsets(%arg5 : memref<128xi32, #tpu.memory_space<vmem>>) semaphore(%arg7 : memref<!tpu.dma_semaphore, #tpu.memory_space<semaphore_mem>>)
    %dma_wait3A = arith.constant 0 : i32
    %dma_wait3A_5 = arith.constant 0 : i32
    %dma_wait3A_6 = tpu.memref_slice %arg2[%dma_wait3A, %dma_wait3A_5] : memref<8192x256xf32, #tpu.memory_space<hbm>> -> memref<8192x256xf32, #tpu.memory_space<hbm>>
    tpu.wait_indirect_dma semaphore(%arg7 : memref<!tpu.dma_semaphore, #tpu.memory_space<semaphore_mem>>) src(%dma_wait3A_6 : memref<8192x256xf32, #tpu.memory_space<hbm>>) dst(%arg6 : memref<128x256xf32, #tpu.memory_space<vmem>>)
    "tpu.region"() ({
      %run_scoped3A = tpu.sem_alloc : memref<!tpu.dma_semaphore, #tpu.memory_space<semaphore_mem>>
      %dma_start3A_7 = arith.constant 0 : i32
      %dma_start3A_8 = tpu.memref_slice %arg4[%mul3A_2, %dma_start3A_7] : memref<4096x256xf32, #tpu.memory_space<hbm>> -> memref<128x256xf32, #tpu.memory_space<hbm>>
      %dma_start3A_9 = arith.constant 0 : i32
      %dma_start3A_10 = tpu.memref_slice %arg4[%mul3A_2, %dma_start3A_9] : memref<4096x256xf32, #tpu.memory_space<hbm>> -> memref<128x256xf32, #tpu.memory_space<hbm>>
      tpu.enqueue_dma source(%arg6 : memref<128x256xf32, #tpu.memory_space<vmem>>) target(%dma_start3A_10 : memref<128x256xf32, #tpu.memory_space<hbm>>) target_semaphore(%run_scoped3A : memref<!tpu.dma_semaphore, #tpu.memory_space<semaphore_mem>>)
      %dma_wait3A_11 = arith.constant 0 : i32
      %dma_wait3A_12 = tpu.memref_slice %arg4[%mul3A_2, %dma_wait3A_11] : memref<4096x256xf32, #tpu.memory_space<hbm>> -> memref<128x256xf32, #tpu.memory_space<hbm>>
      %dma_wait3A_13 = arith.constant 0 : i32
      %dma_wait3A_14 = tpu.memref_slice %arg4[%mul3A_2, %dma_wait3A_13] : memref<4096x256xf32, #tpu.memory_space<hbm>> -> memref<128x256xf32, #tpu.memory_space<hbm>>
      tpu.wait_dma2 semaphore(%run_scoped3A : memref<!tpu.dma_semaphore, #tpu.memory_space<semaphore_mem>>) src(%arg6 : memref<128x256xf32, #tpu.memory_space<vmem>>) dst(%dma_wait3A_14 : memref<128x256xf32, #tpu.memory_space<hbm>>)
      tpu.yield
    }) : () -> ()
    return
  }
}

module attributes {stable_mosaic.version = 14 : i64} {
  func.func @_dist_argmin_body(%arg0: i32, %arg1: memref<1x1x256xf32, #tpu.memory_space<vmem>>, %arg2: memref<1x1x8192xf32, #tpu.memory_space<vmem>>, %arg3: memref<256x256xf32, #tpu.memory_space<vmem>>, %arg4: memref<8192x256xf32, #tpu.memory_space<vmem>>, %arg5: memref<1x1x256xi32, #tpu.memory_space<vmem>>, %arg6: memref<1x1x256xf32, #tpu.memory_space<vmem>>) attributes {dimension_semantics = [#tpu.dimension_semantics<parallel>], iteration_bounds = array<i64: 16>, scalar_prefetch = 0 : i64, scratch_operands = 0 : i64, tpu.core_type = #tpu.core_type<tc>, window_params = [{transform_indices = @transform_0, window_bounds = array<i64: 1, 1, 256>}, {pipeline_mode = #tpu.pipeline_mode<synchronous>, transform_indices = @transform_1, window_bounds = array<i64: 1, 1, 8192>}, {transform_indices = @transform_2, window_bounds = array<i64: 256, 256>}, {pipeline_mode = #tpu.pipeline_mode<synchronous>, transform_indices = @transform_3, window_bounds = array<i64: 8192, 256>}, {transform_indices = @transform_4, window_bounds = array<i64: 1, 1, 256>}, {transform_indices = @transform_5, window_bounds = array<i64: 1, 1, 256>}]} {
    %get3A = arith.constant 0 : index
    %get3A_0 = arith.constant 0 : index
    %get3A_1 = vector.load %arg3[%get3A, %get3A_0] : memref<256x256xf32, #tpu.memory_space<vmem>>, vector<256x256xf32>
    %get3A_2 = arith.constant 0 : index
    %get3A_3 = arith.constant 0 : index
    %get3A_4 = arith.constant 0 : index
    %get3A_5 = vector.load %arg1[%get3A_2, %get3A_3, %get3A_4] : memref<1x1x256xf32, #tpu.memory_space<vmem>>, vector<1x1x256xf32>
    %get3A_6 = vector.shape_cast %get3A_5 : vector<1x1x256xf32> to vector<256xf32>
    %broadcast_in_dim3A = vector.shape_cast %get3A_6 : vector<256xf32> to vector<256x1xf32>
    %broadcast_in_dim3A_7 = arith.constant 0x7F800000 : f32
    %broadcast_in_dim3A_8 = vector.broadcast %broadcast_in_dim3A_7 : f32 to vector<256x256xf32>
    %broadcast_in_dim3A_9 = arith.constant 0 : i32
    %broadcast_in_dim3A_10 = vector.broadcast %broadcast_in_dim3A_9 : i32 to vector<256x256xi32>
    %get3A_11 = arith.constant 0 : index
    %get3A_12 = arith.constant 0 : index
    %get3A_13 = vector.load %arg4[%get3A_11, %get3A_12] : memref<8192x256xf32, #tpu.memory_space<vmem>>, vector<256x256xf32>
    %get3A_14 = arith.constant 0 : index
    %get3A_15 = arith.constant 0 : index
    %get3A_16 = arith.constant 0 : index
    %get3A_17 = vector.load %arg2[%get3A_14, %get3A_15, %get3A_16] : memref<1x1x8192xf32, #tpu.memory_space<vmem>>, vector<1x1x256xf32>
    %get3A_18 = vector.shape_cast %get3A_17 : vector<1x1x256xf32> to vector<256xf32>
    %broadcast_in_dim3A_19 = vector.shape_cast %get3A_18 : vector<256xf32> to vector<1x256xf32>
    %dot_general3A = arith.constant dense<0.000000e+00> : vector<256x256xf32>
    %dot_general3A_20 = tpu.matmul %get3A_1, %get3A_13, %dot_general3A {dimension_numbers = #tpu.dot_dimension_numbers<[1], [1], [0], [0], [0, 0, 1, 0], [], []>, transpose_lhs_hint = false} : vector<256x256xf32>, vector<256x256xf32>, vector<256x256xf32> -> vector<256x256xf32>
    %add3A = vector.broadcast %broadcast_in_dim3A : vector<256x1xf32> to vector<256x256xf32>
    %add3A_21 = vector.broadcast %broadcast_in_dim3A_19 : vector<1x256xf32> to vector<256x256xf32>
    %add3A_22 = arith.addf %add3A, %add3A_21 : vector<256x256xf32>
    %mul3A = arith.constant 2.000000e+00 : f32
    %mul3A_23 = vector.broadcast %mul3A : f32 to vector<256x256xf32>
    %mul3A_24 = arith.mulf %mul3A_23, %dot_general3A_20 : vector<256x256xf32>
    %sub3A = arith.subf %add3A_22, %mul3A_24 : vector<256x256xf32>
    %max3A = arith.constant 0.000000e+00 : f32
    %max3A_25 = vector.broadcast %max3A : f32 to vector<256x256xf32>
    %max3A_26 = arith.maximumf %sub3A, %max3A_25 : vector<256x256xf32>
    %rsqrt3A = math.rsqrt %max3A_26 : vector<256x256xf32>
    %mul3A_27 = arith.mulf %max3A_26, %rsqrt3A : vector<256x256xf32>
    %eq3A = arith.constant 0.000000e+00 : f32
    %eq3A_28 = vector.broadcast %eq3A : f32 to vector<256x256xf32>
    %eq3A_29 = arith.cmpf oeq, %max3A_26, %eq3A_28 : vector<256x256xf32>
    %jit3A = arith.constant 0.000000e+00 : f32
    %broadcast_in_dim3A_30 = vector.broadcast %jit3A : f32 to vector<256x256xf32>
    %select_n3A = arith.select %eq3A_29, %broadcast_in_dim3A_30, %mul3A_27 : vector<256x256xi1>, vector<256x256xf32>
    %lt3A = arith.cmpf olt, %select_n3A, %broadcast_in_dim3A_8 : vector<256x256xf32>
    %jit3A_31 = arith.constant 0 : i32
    %broadcast_in_dim3A_32 = vector.broadcast %jit3A_31 : i32 to vector<256x256xi32>
    %select_n3A_33 = arith.select %lt3A, %broadcast_in_dim3A_32, %broadcast_in_dim3A_10 : vector<256x256xi1>, vector<256x256xi32>
    %min3A = arith.minimumf %broadcast_in_dim3A_8, %select_n3A : vector<256x256xf32>
    %get3A_34 = arith.constant 256 : index
    %get3A_35 = arith.constant 0 : index
    %get3A_36 = vector.load %arg4[%get3A_34, %get3A_35] : memref<8192x256xf32, #tpu.memory_space<vmem>>, vector<256x256xf32>
    %get3A_37 = arith.constant 0 : index
    %get3A_38 = arith.constant 0 : index
    %get3A_39 = arith.constant 256 : index
    %get3A_40 = vector.load %arg2[%get3A_37, %get3A_38, %get3A_39] : memref<1x1x8192xf32, #tpu.memory_space<vmem>>, vector<1x1x256xf32>
    %get3A_41 = vector.shape_cast %get3A_40 : vector<1x1x256xf32> to vector<256xf32>
    %broadcast_in_dim3A_42 = vector.shape_cast %get3A_41 : vector<256xf32> to vector<1x256xf32>
    %dot_general3A_43 = arith.constant dense<0.000000e+00> : vector<256x256xf32>
    %dot_general3A_44 = tpu.matmul %get3A_1, %get3A_36, %dot_general3A_43 {dimension_numbers = #tpu.dot_dimension_numbers<[1], [1], [0], [0], [0, 0, 1, 0], [], []>, transpose_lhs_hint = false} : vector<256x256xf32>, vector<256x256xf32>, vector<256x256xf32> -> vector<256x256xf32>
    %add3A_45 = vector.broadcast %broadcast_in_dim3A : vector<256x1xf32> to vector<256x256xf32>
    %add3A_46 = vector.broadcast %broadcast_in_dim3A_42 : vector<1x256xf32> to vector<256x256xf32>
    %add3A_47 = arith.addf %add3A_45, %add3A_46 : vector<256x256xf32>
    %mul3A_48 = arith.constant 2.000000e+00 : f32
    %mul3A_49 = vector.broadcast %mul3A_48 : f32 to vector<256x256xf32>
    %mul3A_50 = arith.mulf %mul3A_49, %dot_general3A_44 : vector<256x256xf32>
    %sub3A_51 = arith.subf %add3A_47, %mul3A_50 : vector<256x256xf32>
    %max3A_52 = arith.constant 0.000000e+00 : f32
    %max3A_53 = vector.broadcast %max3A_52 : f32 to vector<256x256xf32>
    %max3A_54 = arith.maximumf %sub3A_51, %max3A_53 : vector<256x256xf32>
    %rsqrt3A_55 = math.rsqrt %max3A_54 : vector<256x256xf32>
    %mul3A_56 = arith.mulf %max3A_54, %rsqrt3A_55 : vector<256x256xf32>
    %eq3A_57 = arith.constant 0.000000e+00 : f32
    %eq3A_58 = vector.broadcast %eq3A_57 : f32 to vector<256x256xf32>
    %eq3A_59 = arith.cmpf oeq, %max3A_54, %eq3A_58 : vector<256x256xf32>
    %jit3A_60 = arith.constant 0.000000e+00 : f32
    %broadcast_in_dim3A_61 = vector.broadcast %jit3A_60 : f32 to vector<256x256xf32>
    %select_n3A_62 = arith.select %eq3A_59, %broadcast_in_dim3A_61, %mul3A_56 : vector<256x256xi1>, vector<256x256xf32>
    %lt3A_63 = arith.cmpf olt, %select_n3A_62, %min3A : vector<256x256xf32>
    %jit3A_64 = arith.constant 1 : i32
    %broadcast_in_dim3A_65 = vector.broadcast %jit3A_64 : i32 to vector<256x256xi32>
    %select_n3A_66 = arith.select %lt3A_63, %broadcast_in_dim3A_65, %select_n3A_33 : vector<256x256xi1>, vector<256x256xi32>
    %min3A_67 = arith.minimumf %min3A, %select_n3A_62 : vector<256x256xf32>
    %get3A_68 = arith.constant 512 : index
    %get3A_69 = arith.constant 0 : index
    %get3A_70 = vector.load %arg4[%get3A_68, %get3A_69] : memref<8192x256xf32, #tpu.memory_space<vmem>>, vector<256x256xf32>
    %get3A_71 = arith.constant 0 : index
    %get3A_72 = arith.constant 0 : index
    %get3A_73 = arith.constant 512 : index
    %get3A_74 = vector.load %arg2[%get3A_71, %get3A_72, %get3A_73] : memref<1x1x8192xf32, #tpu.memory_space<vmem>>, vector<1x1x256xf32>
    %get3A_75 = vector.shape_cast %get3A_74 : vector<1x1x256xf32> to vector<256xf32>
    %broadcast_in_dim3A_76 = vector.shape_cast %get3A_75 : vector<256xf32> to vector<1x256xf32>
    %dot_general3A_77 = arith.constant dense<0.000000e+00> : vector<256x256xf32>
    %dot_general3A_78 = tpu.matmul %get3A_1, %get3A_70, %dot_general3A_77 {dimension_numbers = #tpu.dot_dimension_numbers<[1], [1], [0], [0], [0, 0, 1, 0], [], []>, transpose_lhs_hint = false} : vector<256x256xf32>, vector<256x256xf32>, vector<256x256xf32> -> vector<256x256xf32>
    %add3A_79 = vector.broadcast %broadcast_in_dim3A : vector<256x1xf32> to vector<256x256xf32>
    %add3A_80 = vector.broadcast %broadcast_in_dim3A_76 : vector<1x256xf32> to vector<256x256xf32>
    %add3A_81 = arith.addf %add3A_79, %add3A_80 : vector<256x256xf32>
    %mul3A_82 = arith.constant 2.000000e+00 : f32
    %mul3A_83 = vector.broadcast %mul3A_82 : f32 to vector<256x256xf32>
    %mul3A_84 = arith.mulf %mul3A_83, %dot_general3A_78 : vector<256x256xf32>
    %sub3A_85 = arith.subf %add3A_81, %mul3A_84 : vector<256x256xf32>
    %max3A_86 = arith.constant 0.000000e+00 : f32
    %max3A_87 = vector.broadcast %max3A_86 : f32 to vector<256x256xf32>
    %max3A_88 = arith.maximumf %sub3A_85, %max3A_87 : vector<256x256xf32>
    %rsqrt3A_89 = math.rsqrt %max3A_88 : vector<256x256xf32>
    %mul3A_90 = arith.mulf %max3A_88, %rsqrt3A_89 : vector<256x256xf32>
    %eq3A_91 = arith.constant 0.000000e+00 : f32
    %eq3A_92 = vector.broadcast %eq3A_91 : f32 to vector<256x256xf32>
    %eq3A_93 = arith.cmpf oeq, %max3A_88, %eq3A_92 : vector<256x256xf32>
    %jit3A_94 = arith.constant 0.000000e+00 : f32
    %broadcast_in_dim3A_95 = vector.broadcast %jit3A_94 : f32 to vector<256x256xf32>
    %select_n3A_96 = arith.select %eq3A_93, %broadcast_in_dim3A_95, %mul3A_90 : vector<256x256xi1>, vector<256x256xf32>
    %lt3A_97 = arith.cmpf olt, %select_n3A_96, %min3A_67 : vector<256x256xf32>
    %jit3A_98 = arith.constant 2 : i32
    %broadcast_in_dim3A_99 = vector.broadcast %jit3A_98 : i32 to vector<256x256xi32>
    %select_n3A_100 = arith.select %lt3A_97, %broadcast_in_dim3A_99, %select_n3A_66 : vector<256x256xi1>, vector<256x256xi32>
    %min3A_101 = arith.minimumf %min3A_67, %select_n3A_96 : vector<256x256xf32>
    %get3A_102 = arith.constant 768 : index
    %get3A_103 = arith.constant 0 : index
    %get3A_104 = vector.load %arg4[%get3A_102, %get3A_103] : memref<8192x256xf32, #tpu.memory_space<vmem>>, vector<256x256xf32>
    %get3A_105 = arith.constant 0 : index
    %get3A_106 = arith.constant 0 : index
    %get3A_107 = arith.constant 768 : index
    %get3A_108 = vector.load %arg2[%get3A_105, %get3A_106, %get3A_107] : memref<1x1x8192xf32, #tpu.memory_space<vmem>>, vector<1x1x256xf32>
    %get3A_109 = vector.shape_cast %get3A_108 : vector<1x1x256xf32> to vector<256xf32>
    %broadcast_in_dim3A_110 = vector.shape_cast %get3A_109 : vector<256xf32> to vector<1x256xf32>
    %dot_general3A_111 = arith.constant dense<0.000000e+00> : vector<256x256xf32>
    %dot_general3A_112 = tpu.matmul %get3A_1, %get3A_104, %dot_general3A_111 {dimension_numbers = #tpu.dot_dimension_numbers<[1], [1], [0], [0], [0, 0, 1, 0], [], []>, transpose_lhs_hint = false} : vector<256x256xf32>, vector<256x256xf32>, vector<256x256xf32> -> vector<256x256xf32>
    %add3A_113 = vector.broadcast %broadcast_in_dim3A : vector<256x1xf32> to vector<256x256xf32>
    %add3A_114 = vector.broadcast %broadcast_in_dim3A_110 : vector<1x256xf32> to vector<256x256xf32>
    %add3A_115 = arith.addf %add3A_113, %add3A_114 : vector<256x256xf32>
    %mul3A_116 = arith.constant 2.000000e+00 : f32
    %mul3A_117 = vector.broadcast %mul3A_116 : f32 to vector<256x256xf32>
    %mul3A_118 = arith.mulf %mul3A_117, %dot_general3A_112 : vector<256x256xf32>
    %sub3A_119 = arith.subf %add3A_115, %mul3A_118 : vector<256x256xf32>
    %max3A_120 = arith.constant 0.000000e+00 : f32
    %max3A_121 = vector.broadcast %max3A_120 : f32 to vector<256x256xf32>
    %max3A_122 = arith.maximumf %sub3A_119, %max3A_121 : vector<256x256xf32>
    %rsqrt3A_123 = math.rsqrt %max3A_122 : vector<256x256xf32>
    %mul3A_124 = arith.mulf %max3A_122, %rsqrt3A_123 : vector<256x256xf32>
    %eq3A_125 = arith.constant 0.000000e+00 : f32
    %eq3A_126 = vector.broadcast %eq3A_125 : f32 to vector<256x256xf32>
    %eq3A_127 = arith.cmpf oeq, %max3A_122, %eq3A_126 : vector<256x256xf32>
    %jit3A_128 = arith.constant 0.000000e+00 : f32
    %broadcast_in_dim3A_129 = vector.broadcast %jit3A_128 : f32 to vector<256x256xf32>
    %select_n3A_130 = arith.select %eq3A_127, %broadcast_in_dim3A_129, %mul3A_124 : vector<256x256xi1>, vector<256x256xf32>
    %lt3A_131 = arith.cmpf olt, %select_n3A_130, %min3A_101 : vector<256x256xf32>
    %jit3A_132 = arith.constant 3 : i32
    %broadcast_in_dim3A_133 = vector.broadcast %jit3A_132 : i32 to vector<256x256xi32>
    %select_n3A_134 = arith.select %lt3A_131, %broadcast_in_dim3A_133, %select_n3A_100 : vector<256x256xi1>, vector<256x256xi32>
    %min3A_135 = arith.minimumf %min3A_101, %select_n3A_130 : vector<256x256xf32>
    %get3A_136 = arith.constant 1024 : index
    %get3A_137 = arith.constant 0 : index
    %get3A_138 = vector.load %arg4[%get3A_136, %get3A_137] : memref<8192x256xf32, #tpu.memory_space<vmem>>, vector<256x256xf32>
    %get3A_139 = arith.constant 0 : index
    %get3A_140 = arith.constant 0 : index
    %get3A_141 = arith.constant 1024 : index
    %get3A_142 = vector.load %arg2[%get3A_139, %get3A_140, %get3A_141] : memref<1x1x8192xf32, #tpu.memory_space<vmem>>, vector<1x1x256xf32>
    %get3A_143 = vector.shape_cast %get3A_142 : vector<1x1x256xf32> to vector<256xf32>
    %broadcast_in_dim3A_144 = vector.shape_cast %get3A_143 : vector<256xf32> to vector<1x256xf32>
    %dot_general3A_145 = arith.constant dense<0.000000e+00> : vector<256x256xf32>
    %dot_general3A_146 = tpu.matmul %get3A_1, %get3A_138, %dot_general3A_145 {dimension_numbers = #tpu.dot_dimension_numbers<[1], [1], [0], [0], [0, 0, 1, 0], [], []>, transpose_lhs_hint = false} : vector<256x256xf32>, vector<256x256xf32>, vector<256x256xf32> -> vector<256x256xf32>
    %add3A_147 = vector.broadcast %broadcast_in_dim3A : vector<256x1xf32> to vector<256x256xf32>
    %add3A_148 = vector.broadcast %broadcast_in_dim3A_144 : vector<1x256xf32> to vector<256x256xf32>
    %add3A_149 = arith.addf %add3A_147, %add3A_148 : vector<256x256xf32>
    %mul3A_150 = arith.constant 2.000000e+00 : f32
    %mul3A_151 = vector.broadcast %mul3A_150 : f32 to vector<256x256xf32>
    %mul3A_152 = arith.mulf %mul3A_151, %dot_general3A_146 : vector<256x256xf32>
    %sub3A_153 = arith.subf %add3A_149, %mul3A_152 : vector<256x256xf32>
    %max3A_154 = arith.constant 0.000000e+00 : f32
    %max3A_155 = vector.broadcast %max3A_154 : f32 to vector<256x256xf32>
    %max3A_156 = arith.maximumf %sub3A_153, %max3A_155 : vector<256x256xf32>
    %rsqrt3A_157 = math.rsqrt %max3A_156 : vector<256x256xf32>
    %mul3A_158 = arith.mulf %max3A_156, %rsqrt3A_157 : vector<256x256xf32>
    %eq3A_159 = arith.constant 0.000000e+00 : f32
    %eq3A_160 = vector.broadcast %eq3A_159 : f32 to vector<256x256xf32>
    %eq3A_161 = arith.cmpf oeq, %max3A_156, %eq3A_160 : vector<256x256xf32>
    %jit3A_162 = arith.constant 0.000000e+00 : f32
    %broadcast_in_dim3A_163 = vector.broadcast %jit3A_162 : f32 to vector<256x256xf32>
    %select_n3A_164 = arith.select %eq3A_161, %broadcast_in_dim3A_163, %mul3A_158 : vector<256x256xi1>, vector<256x256xf32>
    %lt3A_165 = arith.cmpf olt, %select_n3A_164, %min3A_135 : vector<256x256xf32>
    %jit3A_166 = arith.constant 4 : i32
    %broadcast_in_dim3A_167 = vector.broadcast %jit3A_166 : i32 to vector<256x256xi32>
    %select_n3A_168 = arith.select %lt3A_165, %broadcast_in_dim3A_167, %select_n3A_134 : vector<256x256xi1>, vector<256x256xi32>
    %min3A_169 = arith.minimumf %min3A_135, %select_n3A_164 : vector<256x256xf32>
    %get3A_170 = arith.constant 1280 : index
    %get3A_171 = arith.constant 0 : index
    %get3A_172 = vector.load %arg4[%get3A_170, %get3A_171] : memref<8192x256xf32, #tpu.memory_space<vmem>>, vector<256x256xf32>
    %get3A_173 = arith.constant 0 : index
    %get3A_174 = arith.constant 0 : index
    %get3A_175 = arith.constant 1280 : index
    %get3A_176 = vector.load %arg2[%get3A_173, %get3A_174, %get3A_175] : memref<1x1x8192xf32, #tpu.memory_space<vmem>>, vector<1x1x256xf32>
    %get3A_177 = vector.shape_cast %get3A_176 : vector<1x1x256xf32> to vector<256xf32>
    %broadcast_in_dim3A_178 = vector.shape_cast %get3A_177 : vector<256xf32> to vector<1x256xf32>
    %dot_general3A_179 = arith.constant dense<0.000000e+00> : vector<256x256xf32>
    %dot_general3A_180 = tpu.matmul %get3A_1, %get3A_172, %dot_general3A_179 {dimension_numbers = #tpu.dot_dimension_numbers<[1], [1], [0], [0], [0, 0, 1, 0], [], []>, transpose_lhs_hint = false} : vector<256x256xf32>, vector<256x256xf32>, vector<256x256xf32> -> vector<256x256xf32>
    %add3A_181 = vector.broadcast %broadcast_in_dim3A : vector<256x1xf32> to vector<256x256xf32>
    %add3A_182 = vector.broadcast %broadcast_in_dim3A_178 : vector<1x256xf32> to vector<256x256xf32>
    %add3A_183 = arith.addf %add3A_181, %add3A_182 : vector<256x256xf32>
    %mul3A_184 = arith.constant 2.000000e+00 : f32
    %mul3A_185 = vector.broadcast %mul3A_184 : f32 to vector<256x256xf32>
    %mul3A_186 = arith.mulf %mul3A_185, %dot_general3A_180 : vector<256x256xf32>
    %sub3A_187 = arith.subf %add3A_183, %mul3A_186 : vector<256x256xf32>
    %max3A_188 = arith.constant 0.000000e+00 : f32
    %max3A_189 = vector.broadcast %max3A_188 : f32 to vector<256x256xf32>
    %max3A_190 = arith.maximumf %sub3A_187, %max3A_189 : vector<256x256xf32>
    %rsqrt3A_191 = math.rsqrt %max3A_190 : vector<256x256xf32>
    %mul3A_192 = arith.mulf %max3A_190, %rsqrt3A_191 : vector<256x256xf32>
    %eq3A_193 = arith.constant 0.000000e+00 : f32
    %eq3A_194 = vector.broadcast %eq3A_193 : f32 to vector<256x256xf32>
    %eq3A_195 = arith.cmpf oeq, %max3A_190, %eq3A_194 : vector<256x256xf32>
    %jit3A_196 = arith.constant 0.000000e+00 : f32
    %broadcast_in_dim3A_197 = vector.broadcast %jit3A_196 : f32 to vector<256x256xf32>
    %select_n3A_198 = arith.select %eq3A_195, %broadcast_in_dim3A_197, %mul3A_192 : vector<256x256xi1>, vector<256x256xf32>
    %lt3A_199 = arith.cmpf olt, %select_n3A_198, %min3A_169 : vector<256x256xf32>
    %jit3A_200 = arith.constant 5 : i32
    %broadcast_in_dim3A_201 = vector.broadcast %jit3A_200 : i32 to vector<256x256xi32>
    %select_n3A_202 = arith.select %lt3A_199, %broadcast_in_dim3A_201, %select_n3A_168 : vector<256x256xi1>, vector<256x256xi32>
    %min3A_203 = arith.minimumf %min3A_169, %select_n3A_198 : vector<256x256xf32>
    %get3A_204 = arith.constant 1536 : index
    %get3A_205 = arith.constant 0 : index
    %get3A_206 = vector.load %arg4[%get3A_204, %get3A_205] : memref<8192x256xf32, #tpu.memory_space<vmem>>, vector<256x256xf32>
    %get3A_207 = arith.constant 0 : index
    %get3A_208 = arith.constant 0 : index
    %get3A_209 = arith.constant 1536 : index
    %get3A_210 = vector.load %arg2[%get3A_207, %get3A_208, %get3A_209] : memref<1x1x8192xf32, #tpu.memory_space<vmem>>, vector<1x1x256xf32>
    %get3A_211 = vector.shape_cast %get3A_210 : vector<1x1x256xf32> to vector<256xf32>
    %broadcast_in_dim3A_212 = vector.shape_cast %get3A_211 : vector<256xf32> to vector<1x256xf32>
    %dot_general3A_213 = arith.constant dense<0.000000e+00> : vector<256x256xf32>
    %dot_general3A_214 = tpu.matmul %get3A_1, %get3A_206, %dot_general3A_213 {dimension_numbers = #tpu.dot_dimension_numbers<[1], [1], [0], [0], [0, 0, 1, 0], [], []>, transpose_lhs_hint = false} : vector<256x256xf32>, vector<256x256xf32>, vector<256x256xf32> -> vector<256x256xf32>
    %add3A_215 = vector.broadcast %broadcast_in_dim3A : vector<256x1xf32> to vector<256x256xf32>
    %add3A_216 = vector.broadcast %broadcast_in_dim3A_212 : vector<1x256xf32> to vector<256x256xf32>
    %add3A_217 = arith.addf %add3A_215, %add3A_216 : vector<256x256xf32>
    %mul3A_218 = arith.constant 2.000000e+00 : f32
    %mul3A_219 = vector.broadcast %mul3A_218 : f32 to vector<256x256xf32>
    %mul3A_220 = arith.mulf %mul3A_219, %dot_general3A_214 : vector<256x256xf32>
    %sub3A_221 = arith.subf %add3A_217, %mul3A_220 : vector<256x256xf32>
    %max3A_222 = arith.constant 0.000000e+00 : f32
    %max3A_223 = vector.broadcast %max3A_222 : f32 to vector<256x256xf32>
    %max3A_224 = arith.maximumf %sub3A_221, %max3A_223 : vector<256x256xf32>
    %rsqrt3A_225 = math.rsqrt %max3A_224 : vector<256x256xf32>
    %mul3A_226 = arith.mulf %max3A_224, %rsqrt3A_225 : vector<256x256xf32>
    %eq3A_227 = arith.constant 0.000000e+00 : f32
    %eq3A_228 = vector.broadcast %eq3A_227 : f32 to vector<256x256xf32>
    %eq3A_229 = arith.cmpf oeq, %max3A_224, %eq3A_228 : vector<256x256xf32>
    %jit3A_230 = arith.constant 0.000000e+00 : f32
    %broadcast_in_dim3A_231 = vector.broadcast %jit3A_230 : f32 to vector<256x256xf32>
    %select_n3A_232 = arith.select %eq3A_229, %broadcast_in_dim3A_231, %mul3A_226 : vector<256x256xi1>, vector<256x256xf32>
    %lt3A_233 = arith.cmpf olt, %select_n3A_232, %min3A_203 : vector<256x256xf32>
    %jit3A_234 = arith.constant 6 : i32
    %broadcast_in_dim3A_235 = vector.broadcast %jit3A_234 : i32 to vector<256x256xi32>
    %select_n3A_236 = arith.select %lt3A_233, %broadcast_in_dim3A_235, %select_n3A_202 : vector<256x256xi1>, vector<256x256xi32>
    %min3A_237 = arith.minimumf %min3A_203, %select_n3A_232 : vector<256x256xf32>
    %get3A_238 = arith.constant 1792 : index
    %get3A_239 = arith.constant 0 : index
    %get3A_240 = vector.load %arg4[%get3A_238, %get3A_239] : memref<8192x256xf32, #tpu.memory_space<vmem>>, vector<256x256xf32>
    %get3A_241 = arith.constant 0 : index
    %get3A_242 = arith.constant 0 : index
    %get3A_243 = arith.constant 1792 : index
    %get3A_244 = vector.load %arg2[%get3A_241, %get3A_242, %get3A_243] : memref<1x1x8192xf32, #tpu.memory_space<vmem>>, vector<1x1x256xf32>
    %get3A_245 = vector.shape_cast %get3A_244 : vector<1x1x256xf32> to vector<256xf32>
    %broadcast_in_dim3A_246 = vector.shape_cast %get3A_245 : vector<256xf32> to vector<1x256xf32>
    %dot_general3A_247 = arith.constant dense<0.000000e+00> : vector<256x256xf32>
    %dot_general3A_248 = tpu.matmul %get3A_1, %get3A_240, %dot_general3A_247 {dimension_numbers = #tpu.dot_dimension_numbers<[1], [1], [0], [0], [0, 0, 1, 0], [], []>, transpose_lhs_hint = false} : vector<256x256xf32>, vector<256x256xf32>, vector<256x256xf32> -> vector<256x256xf32>
    %add3A_249 = vector.broadcast %broadcast_in_dim3A : vector<256x1xf32> to vector<256x256xf32>
    %add3A_250 = vector.broadcast %broadcast_in_dim3A_246 : vector<1x256xf32> to vector<256x256xf32>
    %add3A_251 = arith.addf %add3A_249, %add3A_250 : vector<256x256xf32>
    %mul3A_252 = arith.constant 2.000000e+00 : f32
    %mul3A_253 = vector.broadcast %mul3A_252 : f32 to vector<256x256xf32>
    %mul3A_254 = arith.mulf %mul3A_253, %dot_general3A_248 : vector<256x256xf32>
    %sub3A_255 = arith.subf %add3A_251, %mul3A_254 : vector<256x256xf32>
    %max3A_256 = arith.constant 0.000000e+00 : f32
    %max3A_257 = vector.broadcast %max3A_256 : f32 to vector<256x256xf32>
    %max3A_258 = arith.maximumf %sub3A_255, %max3A_257 : vector<256x256xf32>
    %rsqrt3A_259 = math.rsqrt %max3A_258 : vector<256x256xf32>
    %mul3A_260 = arith.mulf %max3A_258, %rsqrt3A_259 : vector<256x256xf32>
    %eq3A_261 = arith.constant 0.000000e+00 : f32
    %eq3A_262 = vector.broadcast %eq3A_261 : f32 to vector<256x256xf32>
    %eq3A_263 = arith.cmpf oeq, %max3A_258, %eq3A_262 : vector<256x256xf32>
    %jit3A_264 = arith.constant 0.000000e+00 : f32
    %broadcast_in_dim3A_265 = vector.broadcast %jit3A_264 : f32 to vector<256x256xf32>
    %select_n3A_266 = arith.select %eq3A_263, %broadcast_in_dim3A_265, %mul3A_260 : vector<256x256xi1>, vector<256x256xf32>
    %lt3A_267 = arith.cmpf olt, %select_n3A_266, %min3A_237 : vector<256x256xf32>
    %jit3A_268 = arith.constant 7 : i32
    %broadcast_in_dim3A_269 = vector.broadcast %jit3A_268 : i32 to vector<256x256xi32>
    %select_n3A_270 = arith.select %lt3A_267, %broadcast_in_dim3A_269, %select_n3A_236 : vector<256x256xi1>, vector<256x256xi32>
    %min3A_271 = arith.minimumf %min3A_237, %select_n3A_266 : vector<256x256xf32>
    %get3A_272 = arith.constant 2048 : index
    %get3A_273 = arith.constant 0 : index
    %get3A_274 = vector.load %arg4[%get3A_272, %get3A_273] : memref<8192x256xf32, #tpu.memory_space<vmem>>, vector<256x256xf32>
    %get3A_275 = arith.constant 0 : index
    %get3A_276 = arith.constant 0 : index
    %get3A_277 = arith.constant 2048 : index
    %get3A_278 = vector.load %arg2[%get3A_275, %get3A_276, %get3A_277] : memref<1x1x8192xf32, #tpu.memory_space<vmem>>, vector<1x1x256xf32>
    %get3A_279 = vector.shape_cast %get3A_278 : vector<1x1x256xf32> to vector<256xf32>
    %broadcast_in_dim3A_280 = vector.shape_cast %get3A_279 : vector<256xf32> to vector<1x256xf32>
    %dot_general3A_281 = arith.constant dense<0.000000e+00> : vector<256x256xf32>
    %dot_general3A_282 = tpu.matmul %get3A_1, %get3A_274, %dot_general3A_281 {dimension_numbers = #tpu.dot_dimension_numbers<[1], [1], [0], [0], [0, 0, 1, 0], [], []>, transpose_lhs_hint = false} : vector<256x256xf32>, vector<256x256xf32>, vector<256x256xf32> -> vector<256x256xf32>
    %add3A_283 = vector.broadcast %broadcast_in_dim3A : vector<256x1xf32> to vector<256x256xf32>
    %add3A_284 = vector.broadcast %broadcast_in_dim3A_280 : vector<1x256xf32> to vector<256x256xf32>
    %add3A_285 = arith.addf %add3A_283, %add3A_284 : vector<256x256xf32>
    %mul3A_286 = arith.constant 2.000000e+00 : f32
    %mul3A_287 = vector.broadcast %mul3A_286 : f32 to vector<256x256xf32>
    %mul3A_288 = arith.mulf %mul3A_287, %dot_general3A_282 : vector<256x256xf32>
    %sub3A_289 = arith.subf %add3A_285, %mul3A_288 : vector<256x256xf32>
    %max3A_290 = arith.constant 0.000000e+00 : f32
    %max3A_291 = vector.broadcast %max3A_290 : f32 to vector<256x256xf32>
    %max3A_292 = arith.maximumf %sub3A_289, %max3A_291 : vector<256x256xf32>
    %rsqrt3A_293 = math.rsqrt %max3A_292 : vector<256x256xf32>
    %mul3A_294 = arith.mulf %max3A_292, %rsqrt3A_293 : vector<256x256xf32>
    %eq3A_295 = arith.constant 0.000000e+00 : f32
    %eq3A_296 = vector.broadcast %eq3A_295 : f32 to vector<256x256xf32>
    %eq3A_297 = arith.cmpf oeq, %max3A_292, %eq3A_296 : vector<256x256xf32>
    %jit3A_298 = arith.constant 0.000000e+00 : f32
    %broadcast_in_dim3A_299 = vector.broadcast %jit3A_298 : f32 to vector<256x256xf32>
    %select_n3A_300 = arith.select %eq3A_297, %broadcast_in_dim3A_299, %mul3A_294 : vector<256x256xi1>, vector<256x256xf32>
    %lt3A_301 = arith.cmpf olt, %select_n3A_300, %min3A_271 : vector<256x256xf32>
    %jit3A_302 = arith.constant 8 : i32
    %broadcast_in_dim3A_303 = vector.broadcast %jit3A_302 : i32 to vector<256x256xi32>
    %select_n3A_304 = arith.select %lt3A_301, %broadcast_in_dim3A_303, %select_n3A_270 : vector<256x256xi1>, vector<256x256xi32>
    %min3A_305 = arith.minimumf %min3A_271, %select_n3A_300 : vector<256x256xf32>
    %get3A_306 = arith.constant 2304 : index
    %get3A_307 = arith.constant 0 : index
    %get3A_308 = vector.load %arg4[%get3A_306, %get3A_307] : memref<8192x256xf32, #tpu.memory_space<vmem>>, vector<256x256xf32>
    %get3A_309 = arith.constant 0 : index
    %get3A_310 = arith.constant 0 : index
    %get3A_311 = arith.constant 2304 : index
    %get3A_312 = vector.load %arg2[%get3A_309, %get3A_310, %get3A_311] : memref<1x1x8192xf32, #tpu.memory_space<vmem>>, vector<1x1x256xf32>
    %get3A_313 = vector.shape_cast %get3A_312 : vector<1x1x256xf32> to vector<256xf32>
    %broadcast_in_dim3A_314 = vector.shape_cast %get3A_313 : vector<256xf32> to vector<1x256xf32>
    %dot_general3A_315 = arith.constant dense<0.000000e+00> : vector<256x256xf32>
    %dot_general3A_316 = tpu.matmul %get3A_1, %get3A_308, %dot_general3A_315 {dimension_numbers = #tpu.dot_dimension_numbers<[1], [1], [0], [0], [0, 0, 1, 0], [], []>, transpose_lhs_hint = false} : vector<256x256xf32>, vector<256x256xf32>, vector<256x256xf32> -> vector<256x256xf32>
    %add3A_317 = vector.broadcast %broadcast_in_dim3A : vector<256x1xf32> to vector<256x256xf32>
    %add3A_318 = vector.broadcast %broadcast_in_dim3A_314 : vector<1x256xf32> to vector<256x256xf32>
    %add3A_319 = arith.addf %add3A_317, %add3A_318 : vector<256x256xf32>
    %mul3A_320 = arith.constant 2.000000e+00 : f32
    %mul3A_321 = vector.broadcast %mul3A_320 : f32 to vector<256x256xf32>
    %mul3A_322 = arith.mulf %mul3A_321, %dot_general3A_316 : vector<256x256xf32>
    %sub3A_323 = arith.subf %add3A_319, %mul3A_322 : vector<256x256xf32>
    %max3A_324 = arith.constant 0.000000e+00 : f32
    %max3A_325 = vector.broadcast %max3A_324 : f32 to vector<256x256xf32>
    %max3A_326 = arith.maximumf %sub3A_323, %max3A_325 : vector<256x256xf32>
    %rsqrt3A_327 = math.rsqrt %max3A_326 : vector<256x256xf32>
    %mul3A_328 = arith.mulf %max3A_326, %rsqrt3A_327 : vector<256x256xf32>
    %eq3A_329 = arith.constant 0.000000e+00 : f32
    %eq3A_330 = vector.broadcast %eq3A_329 : f32 to vector<256x256xf32>
    %eq3A_331 = arith.cmpf oeq, %max3A_326, %eq3A_330 : vector<256x256xf32>
    %jit3A_332 = arith.constant 0.000000e+00 : f32
    %broadcast_in_dim3A_333 = vector.broadcast %jit3A_332 : f32 to vector<256x256xf32>
    %select_n3A_334 = arith.select %eq3A_331, %broadcast_in_dim3A_333, %mul3A_328 : vector<256x256xi1>, vector<256x256xf32>
    %lt3A_335 = arith.cmpf olt, %select_n3A_334, %min3A_305 : vector<256x256xf32>
    %jit3A_336 = arith.constant 9 : i32
    %broadcast_in_dim3A_337 = vector.broadcast %jit3A_336 : i32 to vector<256x256xi32>
    %select_n3A_338 = arith.select %lt3A_335, %broadcast_in_dim3A_337, %select_n3A_304 : vector<256x256xi1>, vector<256x256xi32>
    %min3A_339 = arith.minimumf %min3A_305, %select_n3A_334 : vector<256x256xf32>
    %get3A_340 = arith.constant 2560 : index
    %get3A_341 = arith.constant 0 : index
    %get3A_342 = vector.load %arg4[%get3A_340, %get3A_341] : memref<8192x256xf32, #tpu.memory_space<vmem>>, vector<256x256xf32>
    %get3A_343 = arith.constant 0 : index
    %get3A_344 = arith.constant 0 : index
    %get3A_345 = arith.constant 2560 : index
    %get3A_346 = vector.load %arg2[%get3A_343, %get3A_344, %get3A_345] : memref<1x1x8192xf32, #tpu.memory_space<vmem>>, vector<1x1x256xf32>
    %get3A_347 = vector.shape_cast %get3A_346 : vector<1x1x256xf32> to vector<256xf32>
    %broadcast_in_dim3A_348 = vector.shape_cast %get3A_347 : vector<256xf32> to vector<1x256xf32>
    %dot_general3A_349 = arith.constant dense<0.000000e+00> : vector<256x256xf32>
    %dot_general3A_350 = tpu.matmul %get3A_1, %get3A_342, %dot_general3A_349 {dimension_numbers = #tpu.dot_dimension_numbers<[1], [1], [0], [0], [0, 0, 1, 0], [], []>, transpose_lhs_hint = false} : vector<256x256xf32>, vector<256x256xf32>, vector<256x256xf32> -> vector<256x256xf32>
    %add3A_351 = vector.broadcast %broadcast_in_dim3A : vector<256x1xf32> to vector<256x256xf32>
    %add3A_352 = vector.broadcast %broadcast_in_dim3A_348 : vector<1x256xf32> to vector<256x256xf32>
    %add3A_353 = arith.addf %add3A_351, %add3A_352 : vector<256x256xf32>
    %mul3A_354 = arith.constant 2.000000e+00 : f32
    %mul3A_355 = vector.broadcast %mul3A_354 : f32 to vector<256x256xf32>
    %mul3A_356 = arith.mulf %mul3A_355, %dot_general3A_350 : vector<256x256xf32>
    %sub3A_357 = arith.subf %add3A_353, %mul3A_356 : vector<256x256xf32>
    %max3A_358 = arith.constant 0.000000e+00 : f32
    %max3A_359 = vector.broadcast %max3A_358 : f32 to vector<256x256xf32>
    %max3A_360 = arith.maximumf %sub3A_357, %max3A_359 : vector<256x256xf32>
    %rsqrt3A_361 = math.rsqrt %max3A_360 : vector<256x256xf32>
    %mul3A_362 = arith.mulf %max3A_360, %rsqrt3A_361 : vector<256x256xf32>
    %eq3A_363 = arith.constant 0.000000e+00 : f32
    %eq3A_364 = vector.broadcast %eq3A_363 : f32 to vector<256x256xf32>
    %eq3A_365 = arith.cmpf oeq, %max3A_360, %eq3A_364 : vector<256x256xf32>
    %jit3A_366 = arith.constant 0.000000e+00 : f32
    %broadcast_in_dim3A_367 = vector.broadcast %jit3A_366 : f32 to vector<256x256xf32>
    %select_n3A_368 = arith.select %eq3A_365, %broadcast_in_dim3A_367, %mul3A_362 : vector<256x256xi1>, vector<256x256xf32>
    %lt3A_369 = arith.cmpf olt, %select_n3A_368, %min3A_339 : vector<256x256xf32>
    %jit3A_370 = arith.constant 10 : i32
    %broadcast_in_dim3A_371 = vector.broadcast %jit3A_370 : i32 to vector<256x256xi32>
    %select_n3A_372 = arith.select %lt3A_369, %broadcast_in_dim3A_371, %select_n3A_338 : vector<256x256xi1>, vector<256x256xi32>
    %min3A_373 = arith.minimumf %min3A_339, %select_n3A_368 : vector<256x256xf32>
    %get3A_374 = arith.constant 2816 : index
    %get3A_375 = arith.constant 0 : index
    %get3A_376 = vector.load %arg4[%get3A_374, %get3A_375] : memref<8192x256xf32, #tpu.memory_space<vmem>>, vector<256x256xf32>
    %get3A_377 = arith.constant 0 : index
    %get3A_378 = arith.constant 0 : index
    %get3A_379 = arith.constant 2816 : index
    %get3A_380 = vector.load %arg2[%get3A_377, %get3A_378, %get3A_379] : memref<1x1x8192xf32, #tpu.memory_space<vmem>>, vector<1x1x256xf32>
    %get3A_381 = vector.shape_cast %get3A_380 : vector<1x1x256xf32> to vector<256xf32>
    %broadcast_in_dim3A_382 = vector.shape_cast %get3A_381 : vector<256xf32> to vector<1x256xf32>
    %dot_general3A_383 = arith.constant dense<0.000000e+00> : vector<256x256xf32>
    %dot_general3A_384 = tpu.matmul %get3A_1, %get3A_376, %dot_general3A_383 {dimension_numbers = #tpu.dot_dimension_numbers<[1], [1], [0], [0], [0, 0, 1, 0], [], []>, transpose_lhs_hint = false} : vector<256x256xf32>, vector<256x256xf32>, vector<256x256xf32> -> vector<256x256xf32>
    %add3A_385 = vector.broadcast %broadcast_in_dim3A : vector<256x1xf32> to vector<256x256xf32>
    %add3A_386 = vector.broadcast %broadcast_in_dim3A_382 : vector<1x256xf32> to vector<256x256xf32>
    %add3A_387 = arith.addf %add3A_385, %add3A_386 : vector<256x256xf32>
    %mul3A_388 = arith.constant 2.000000e+00 : f32
    %mul3A_389 = vector.broadcast %mul3A_388 : f32 to vector<256x256xf32>
    %mul3A_390 = arith.mulf %mul3A_389, %dot_general3A_384 : vector<256x256xf32>
    %sub3A_391 = arith.subf %add3A_387, %mul3A_390 : vector<256x256xf32>
    %max3A_392 = arith.constant 0.000000e+00 : f32
    %max3A_393 = vector.broadcast %max3A_392 : f32 to vector<256x256xf32>
    %max3A_394 = arith.maximumf %sub3A_391, %max3A_393 : vector<256x256xf32>
    %rsqrt3A_395 = math.rsqrt %max3A_394 : vector<256x256xf32>
    %mul3A_396 = arith.mulf %max3A_394, %rsqrt3A_395 : vector<256x256xf32>
    %eq3A_397 = arith.constant 0.000000e+00 : f32
    %eq3A_398 = vector.broadcast %eq3A_397 : f32 to vector<256x256xf32>
    %eq3A_399 = arith.cmpf oeq, %max3A_394, %eq3A_398 : vector<256x256xf32>
    %jit3A_400 = arith.constant 0.000000e+00 : f32
    %broadcast_in_dim3A_401 = vector.broadcast %jit3A_400 : f32 to vector<256x256xf32>
    %select_n3A_402 = arith.select %eq3A_399, %broadcast_in_dim3A_401, %mul3A_396 : vector<256x256xi1>, vector<256x256xf32>
    %lt3A_403 = arith.cmpf olt, %select_n3A_402, %min3A_373 : vector<256x256xf32>
    %jit3A_404 = arith.constant 11 : i32
    %broadcast_in_dim3A_405 = vector.broadcast %jit3A_404 : i32 to vector<256x256xi32>
    %select_n3A_406 = arith.select %lt3A_403, %broadcast_in_dim3A_405, %select_n3A_372 : vector<256x256xi1>, vector<256x256xi32>
    %min3A_407 = arith.minimumf %min3A_373, %select_n3A_402 : vector<256x256xf32>
    %get3A_408 = arith.constant 3072 : index
    %get3A_409 = arith.constant 0 : index
    %get3A_410 = vector.load %arg4[%get3A_408, %get3A_409] : memref<8192x256xf32, #tpu.memory_space<vmem>>, vector<256x256xf32>
    %get3A_411 = arith.constant 0 : index
    %get3A_412 = arith.constant 0 : index
    %get3A_413 = arith.constant 3072 : index
    %get3A_414 = vector.load %arg2[%get3A_411, %get3A_412, %get3A_413] : memref<1x1x8192xf32, #tpu.memory_space<vmem>>, vector<1x1x256xf32>
    %get3A_415 = vector.shape_cast %get3A_414 : vector<1x1x256xf32> to vector<256xf32>
    %broadcast_in_dim3A_416 = vector.shape_cast %get3A_415 : vector<256xf32> to vector<1x256xf32>
    %dot_general3A_417 = arith.constant dense<0.000000e+00> : vector<256x256xf32>
    %dot_general3A_418 = tpu.matmul %get3A_1, %get3A_410, %dot_general3A_417 {dimension_numbers = #tpu.dot_dimension_numbers<[1], [1], [0], [0], [0, 0, 1, 0], [], []>, transpose_lhs_hint = false} : vector<256x256xf32>, vector<256x256xf32>, vector<256x256xf32> -> vector<256x256xf32>
    %add3A_419 = vector.broadcast %broadcast_in_dim3A : vector<256x1xf32> to vector<256x256xf32>
    %add3A_420 = vector.broadcast %broadcast_in_dim3A_416 : vector<1x256xf32> to vector<256x256xf32>
    %add3A_421 = arith.addf %add3A_419, %add3A_420 : vector<256x256xf32>
    %mul3A_422 = arith.constant 2.000000e+00 : f32
    %mul3A_423 = vector.broadcast %mul3A_422 : f32 to vector<256x256xf32>
    %mul3A_424 = arith.mulf %mul3A_423, %dot_general3A_418 : vector<256x256xf32>
    %sub3A_425 = arith.subf %add3A_421, %mul3A_424 : vector<256x256xf32>
    %max3A_426 = arith.constant 0.000000e+00 : f32
    %max3A_427 = vector.broadcast %max3A_426 : f32 to vector<256x256xf32>
    %max3A_428 = arith.maximumf %sub3A_425, %max3A_427 : vector<256x256xf32>
    %rsqrt3A_429 = math.rsqrt %max3A_428 : vector<256x256xf32>
    %mul3A_430 = arith.mulf %max3A_428, %rsqrt3A_429 : vector<256x256xf32>
    %eq3A_431 = arith.constant 0.000000e+00 : f32
    %eq3A_432 = vector.broadcast %eq3A_431 : f32 to vector<256x256xf32>
    %eq3A_433 = arith.cmpf oeq, %max3A_428, %eq3A_432 : vector<256x256xf32>
    %jit3A_434 = arith.constant 0.000000e+00 : f32
    %broadcast_in_dim3A_435 = vector.broadcast %jit3A_434 : f32 to vector<256x256xf32>
    %select_n3A_436 = arith.select %eq3A_433, %broadcast_in_dim3A_435, %mul3A_430 : vector<256x256xi1>, vector<256x256xf32>
    %lt3A_437 = arith.cmpf olt, %select_n3A_436, %min3A_407 : vector<256x256xf32>
    %jit3A_438 = arith.constant 12 : i32
    %broadcast_in_dim3A_439 = vector.broadcast %jit3A_438 : i32 to vector<256x256xi32>
    %select_n3A_440 = arith.select %lt3A_437, %broadcast_in_dim3A_439, %select_n3A_406 : vector<256x256xi1>, vector<256x256xi32>
    %min3A_441 = arith.minimumf %min3A_407, %select_n3A_436 : vector<256x256xf32>
    %get3A_442 = arith.constant 3328 : index
    %get3A_443 = arith.constant 0 : index
    %get3A_444 = vector.load %arg4[%get3A_442, %get3A_443] : memref<8192x256xf32, #tpu.memory_space<vmem>>, vector<256x256xf32>
    %get3A_445 = arith.constant 0 : index
    %get3A_446 = arith.constant 0 : index
    %get3A_447 = arith.constant 3328 : index
    %get3A_448 = vector.load %arg2[%get3A_445, %get3A_446, %get3A_447] : memref<1x1x8192xf32, #tpu.memory_space<vmem>>, vector<1x1x256xf32>
    %get3A_449 = vector.shape_cast %get3A_448 : vector<1x1x256xf32> to vector<256xf32>
    %broadcast_in_dim3A_450 = vector.shape_cast %get3A_449 : vector<256xf32> to vector<1x256xf32>
    %dot_general3A_451 = arith.constant dense<0.000000e+00> : vector<256x256xf32>
    %dot_general3A_452 = tpu.matmul %get3A_1, %get3A_444, %dot_general3A_451 {dimension_numbers = #tpu.dot_dimension_numbers<[1], [1], [0], [0], [0, 0, 1, 0], [], []>, transpose_lhs_hint = false} : vector<256x256xf32>, vector<256x256xf32>, vector<256x256xf32> -> vector<256x256xf32>
    %add3A_453 = vector.broadcast %broadcast_in_dim3A : vector<256x1xf32> to vector<256x256xf32>
    %add3A_454 = vector.broadcast %broadcast_in_dim3A_450 : vector<1x256xf32> to vector<256x256xf32>
    %add3A_455 = arith.addf %add3A_453, %add3A_454 : vector<256x256xf32>
    %mul3A_456 = arith.constant 2.000000e+00 : f32
    %mul3A_457 = vector.broadcast %mul3A_456 : f32 to vector<256x256xf32>
    %mul3A_458 = arith.mulf %mul3A_457, %dot_general3A_452 : vector<256x256xf32>
    %sub3A_459 = arith.subf %add3A_455, %mul3A_458 : vector<256x256xf32>
    %max3A_460 = arith.constant 0.000000e+00 : f32
    %max3A_461 = vector.broadcast %max3A_460 : f32 to vector<256x256xf32>
    %max3A_462 = arith.maximumf %sub3A_459, %max3A_461 : vector<256x256xf32>
    %rsqrt3A_463 = math.rsqrt %max3A_462 : vector<256x256xf32>
    %mul3A_464 = arith.mulf %max3A_462, %rsqrt3A_463 : vector<256x256xf32>
    %eq3A_465 = arith.constant 0.000000e+00 : f32
    %eq3A_466 = vector.broadcast %eq3A_465 : f32 to vector<256x256xf32>
    %eq3A_467 = arith.cmpf oeq, %max3A_462, %eq3A_466 : vector<256x256xf32>
    %jit3A_468 = arith.constant 0.000000e+00 : f32
    %broadcast_in_dim3A_469 = vector.broadcast %jit3A_468 : f32 to vector<256x256xf32>
    %select_n3A_470 = arith.select %eq3A_467, %broadcast_in_dim3A_469, %mul3A_464 : vector<256x256xi1>, vector<256x256xf32>
    %lt3A_471 = arith.cmpf olt, %select_n3A_470, %min3A_441 : vector<256x256xf32>
    %jit3A_472 = arith.constant 13 : i32
    %broadcast_in_dim3A_473 = vector.broadcast %jit3A_472 : i32 to vector<256x256xi32>
    %select_n3A_474 = arith.select %lt3A_471, %broadcast_in_dim3A_473, %select_n3A_440 : vector<256x256xi1>, vector<256x256xi32>
    %min3A_475 = arith.minimumf %min3A_441, %select_n3A_470 : vector<256x256xf32>
    %get3A_476 = arith.constant 3584 : index
    %get3A_477 = arith.constant 0 : index
    %get3A_478 = vector.load %arg4[%get3A_476, %get3A_477] : memref<8192x256xf32, #tpu.memory_space<vmem>>, vector<256x256xf32>
    %get3A_479 = arith.constant 0 : index
    %get3A_480 = arith.constant 0 : index
    %get3A_481 = arith.constant 3584 : index
    %get3A_482 = vector.load %arg2[%get3A_479, %get3A_480, %get3A_481] : memref<1x1x8192xf32, #tpu.memory_space<vmem>>, vector<1x1x256xf32>
    %get3A_483 = vector.shape_cast %get3A_482 : vector<1x1x256xf32> to vector<256xf32>
    %broadcast_in_dim3A_484 = vector.shape_cast %get3A_483 : vector<256xf32> to vector<1x256xf32>
    %dot_general3A_485 = arith.constant dense<0.000000e+00> : vector<256x256xf32>
    %dot_general3A_486 = tpu.matmul %get3A_1, %get3A_478, %dot_general3A_485 {dimension_numbers = #tpu.dot_dimension_numbers<[1], [1], [0], [0], [0, 0, 1, 0], [], []>, transpose_lhs_hint = false} : vector<256x256xf32>, vector<256x256xf32>, vector<256x256xf32> -> vector<256x256xf32>
    %add3A_487 = vector.broadcast %broadcast_in_dim3A : vector<256x1xf32> to vector<256x256xf32>
    %add3A_488 = vector.broadcast %broadcast_in_dim3A_484 : vector<1x256xf32> to vector<256x256xf32>
    %add3A_489 = arith.addf %add3A_487, %add3A_488 : vector<256x256xf32>
    %mul3A_490 = arith.constant 2.000000e+00 : f32
    %mul3A_491 = vector.broadcast %mul3A_490 : f32 to vector<256x256xf32>
    %mul3A_492 = arith.mulf %mul3A_491, %dot_general3A_486 : vector<256x256xf32>
    %sub3A_493 = arith.subf %add3A_489, %mul3A_492 : vector<256x256xf32>
    %max3A_494 = arith.constant 0.000000e+00 : f32
    %max3A_495 = vector.broadcast %max3A_494 : f32 to vector<256x256xf32>
    %max3A_496 = arith.maximumf %sub3A_493, %max3A_495 : vector<256x256xf32>
    %rsqrt3A_497 = math.rsqrt %max3A_496 : vector<256x256xf32>
    %mul3A_498 = arith.mulf %max3A_496, %rsqrt3A_497 : vector<256x256xf32>
    %eq3A_499 = arith.constant 0.000000e+00 : f32
    %eq3A_500 = vector.broadcast %eq3A_499 : f32 to vector<256x256xf32>
    %eq3A_501 = arith.cmpf oeq, %max3A_496, %eq3A_500 : vector<256x256xf32>
    %jit3A_502 = arith.constant 0.000000e+00 : f32
    %broadcast_in_dim3A_503 = vector.broadcast %jit3A_502 : f32 to vector<256x256xf32>
    %select_n3A_504 = arith.select %eq3A_501, %broadcast_in_dim3A_503, %mul3A_498 : vector<256x256xi1>, vector<256x256xf32>
    %lt3A_505 = arith.cmpf olt, %select_n3A_504, %min3A_475 : vector<256x256xf32>
    %jit3A_506 = arith.constant 14 : i32
    %broadcast_in_dim3A_507 = vector.broadcast %jit3A_506 : i32 to vector<256x256xi32>
    %select_n3A_508 = arith.select %lt3A_505, %broadcast_in_dim3A_507, %select_n3A_474 : vector<256x256xi1>, vector<256x256xi32>
    %min3A_509 = arith.minimumf %min3A_475, %select_n3A_504 : vector<256x256xf32>
    %get3A_510 = arith.constant 3840 : index
    %get3A_511 = arith.constant 0 : index
    %get3A_512 = vector.load %arg4[%get3A_510, %get3A_511] : memref<8192x256xf32, #tpu.memory_space<vmem>>, vector<256x256xf32>
    %get3A_513 = arith.constant 0 : index
    %get3A_514 = arith.constant 0 : index
    %get3A_515 = arith.constant 3840 : index
    %get3A_516 = vector.load %arg2[%get3A_513, %get3A_514, %get3A_515] : memref<1x1x8192xf32, #tpu.memory_space<vmem>>, vector<1x1x256xf32>
    %get3A_517 = vector.shape_cast %get3A_516 : vector<1x1x256xf32> to vector<256xf32>
    %broadcast_in_dim3A_518 = vector.shape_cast %get3A_517 : vector<256xf32> to vector<1x256xf32>
    %dot_general3A_519 = arith.constant dense<0.000000e+00> : vector<256x256xf32>
    %dot_general3A_520 = tpu.matmul %get3A_1, %get3A_512, %dot_general3A_519 {dimension_numbers = #tpu.dot_dimension_numbers<[1], [1], [0], [0], [0, 0, 1, 0], [], []>, transpose_lhs_hint = false} : vector<256x256xf32>, vector<256x256xf32>, vector<256x256xf32> -> vector<256x256xf32>
    %add3A_521 = vector.broadcast %broadcast_in_dim3A : vector<256x1xf32> to vector<256x256xf32>
    %add3A_522 = vector.broadcast %broadcast_in_dim3A_518 : vector<1x256xf32> to vector<256x256xf32>
    %add3A_523 = arith.addf %add3A_521, %add3A_522 : vector<256x256xf32>
    %mul3A_524 = arith.constant 2.000000e+00 : f32
    %mul3A_525 = vector.broadcast %mul3A_524 : f32 to vector<256x256xf32>
    %mul3A_526 = arith.mulf %mul3A_525, %dot_general3A_520 : vector<256x256xf32>
    %sub3A_527 = arith.subf %add3A_523, %mul3A_526 : vector<256x256xf32>
    %max3A_528 = arith.constant 0.000000e+00 : f32
    %max3A_529 = vector.broadcast %max3A_528 : f32 to vector<256x256xf32>
    %max3A_530 = arith.maximumf %sub3A_527, %max3A_529 : vector<256x256xf32>
    %rsqrt3A_531 = math.rsqrt %max3A_530 : vector<256x256xf32>
    %mul3A_532 = arith.mulf %max3A_530, %rsqrt3A_531 : vector<256x256xf32>
    %eq3A_533 = arith.constant 0.000000e+00 : f32
    %eq3A_534 = vector.broadcast %eq3A_533 : f32 to vector<256x256xf32>
    %eq3A_535 = arith.cmpf oeq, %max3A_530, %eq3A_534 : vector<256x256xf32>
    %jit3A_536 = arith.constant 0.000000e+00 : f32
    %broadcast_in_dim3A_537 = vector.broadcast %jit3A_536 : f32 to vector<256x256xf32>
    %select_n3A_538 = arith.select %eq3A_535, %broadcast_in_dim3A_537, %mul3A_532 : vector<256x256xi1>, vector<256x256xf32>
    %lt3A_539 = arith.cmpf olt, %select_n3A_538, %min3A_509 : vector<256x256xf32>
    %jit3A_540 = arith.constant 15 : i32
    %broadcast_in_dim3A_541 = vector.broadcast %jit3A_540 : i32 to vector<256x256xi32>
    %select_n3A_542 = arith.select %lt3A_539, %broadcast_in_dim3A_541, %select_n3A_508 : vector<256x256xi1>, vector<256x256xi32>
    %min3A_543 = arith.minimumf %min3A_509, %select_n3A_538 : vector<256x256xf32>
    %get3A_544 = arith.constant 4096 : index
    %get3A_545 = arith.constant 0 : index
    %get3A_546 = vector.load %arg4[%get3A_544, %get3A_545] : memref<8192x256xf32, #tpu.memory_space<vmem>>, vector<256x256xf32>
    %get3A_547 = arith.constant 0 : index
    %get3A_548 = arith.constant 0 : index
    %get3A_549 = arith.constant 4096 : index
    %get3A_550 = vector.load %arg2[%get3A_547, %get3A_548, %get3A_549] : memref<1x1x8192xf32, #tpu.memory_space<vmem>>, vector<1x1x256xf32>
    %get3A_551 = vector.shape_cast %get3A_550 : vector<1x1x256xf32> to vector<256xf32>
    %broadcast_in_dim3A_552 = vector.shape_cast %get3A_551 : vector<256xf32> to vector<1x256xf32>
    %dot_general3A_553 = arith.constant dense<0.000000e+00> : vector<256x256xf32>
    %dot_general3A_554 = tpu.matmul %get3A_1, %get3A_546, %dot_general3A_553 {dimension_numbers = #tpu.dot_dimension_numbers<[1], [1], [0], [0], [0, 0, 1, 0], [], []>, transpose_lhs_hint = false} : vector<256x256xf32>, vector<256x256xf32>, vector<256x256xf32> -> vector<256x256xf32>
    %add3A_555 = vector.broadcast %broadcast_in_dim3A : vector<256x1xf32> to vector<256x256xf32>
    %add3A_556 = vector.broadcast %broadcast_in_dim3A_552 : vector<1x256xf32> to vector<256x256xf32>
    %add3A_557 = arith.addf %add3A_555, %add3A_556 : vector<256x256xf32>
    %mul3A_558 = arith.constant 2.000000e+00 : f32
    %mul3A_559 = vector.broadcast %mul3A_558 : f32 to vector<256x256xf32>
    %mul3A_560 = arith.mulf %mul3A_559, %dot_general3A_554 : vector<256x256xf32>
    %sub3A_561 = arith.subf %add3A_557, %mul3A_560 : vector<256x256xf32>
    %max3A_562 = arith.constant 0.000000e+00 : f32
    %max3A_563 = vector.broadcast %max3A_562 : f32 to vector<256x256xf32>
    %max3A_564 = arith.maximumf %sub3A_561, %max3A_563 : vector<256x256xf32>
    %rsqrt3A_565 = math.rsqrt %max3A_564 : vector<256x256xf32>
    %mul3A_566 = arith.mulf %max3A_564, %rsqrt3A_565 : vector<256x256xf32>
    %eq3A_567 = arith.constant 0.000000e+00 : f32
    %eq3A_568 = vector.broadcast %eq3A_567 : f32 to vector<256x256xf32>
    %eq3A_569 = arith.cmpf oeq, %max3A_564, %eq3A_568 : vector<256x256xf32>
    %jit3A_570 = arith.constant 0.000000e+00 : f32
    %broadcast_in_dim3A_571 = vector.broadcast %jit3A_570 : f32 to vector<256x256xf32>
    %select_n3A_572 = arith.select %eq3A_569, %broadcast_in_dim3A_571, %mul3A_566 : vector<256x256xi1>, vector<256x256xf32>
    %lt3A_573 = arith.cmpf olt, %select_n3A_572, %min3A_543 : vector<256x256xf32>
    %jit3A_574 = arith.constant 16 : i32
    %broadcast_in_dim3A_575 = vector.broadcast %jit3A_574 : i32 to vector<256x256xi32>
    %select_n3A_576 = arith.select %lt3A_573, %broadcast_in_dim3A_575, %select_n3A_542 : vector<256x256xi1>, vector<256x256xi32>
    %min3A_577 = arith.minimumf %min3A_543, %select_n3A_572 : vector<256x256xf32>
    %get3A_578 = arith.constant 4352 : index
    %get3A_579 = arith.constant 0 : index
    %get3A_580 = vector.load %arg4[%get3A_578, %get3A_579] : memref<8192x256xf32, #tpu.memory_space<vmem>>, vector<256x256xf32>
    %get3A_581 = arith.constant 0 : index
    %get3A_582 = arith.constant 0 : index
    %get3A_583 = arith.constant 4352 : index
    %get3A_584 = vector.load %arg2[%get3A_581, %get3A_582, %get3A_583] : memref<1x1x8192xf32, #tpu.memory_space<vmem>>, vector<1x1x256xf32>
    %get3A_585 = vector.shape_cast %get3A_584 : vector<1x1x256xf32> to vector<256xf32>
    %broadcast_in_dim3A_586 = vector.shape_cast %get3A_585 : vector<256xf32> to vector<1x256xf32>
    %dot_general3A_587 = arith.constant dense<0.000000e+00> : vector<256x256xf32>
    %dot_general3A_588 = tpu.matmul %get3A_1, %get3A_580, %dot_general3A_587 {dimension_numbers = #tpu.dot_dimension_numbers<[1], [1], [0], [0], [0, 0, 1, 0], [], []>, transpose_lhs_hint = false} : vector<256x256xf32>, vector<256x256xf32>, vector<256x256xf32> -> vector<256x256xf32>
    %add3A_589 = vector.broadcast %broadcast_in_dim3A : vector<256x1xf32> to vector<256x256xf32>
    %add3A_590 = vector.broadcast %broadcast_in_dim3A_586 : vector<1x256xf32> to vector<256x256xf32>
    %add3A_591 = arith.addf %add3A_589, %add3A_590 : vector<256x256xf32>
    %mul3A_592 = arith.constant 2.000000e+00 : f32
    %mul3A_593 = vector.broadcast %mul3A_592 : f32 to vector<256x256xf32>
    %mul3A_594 = arith.mulf %mul3A_593, %dot_general3A_588 : vector<256x256xf32>
    %sub3A_595 = arith.subf %add3A_591, %mul3A_594 : vector<256x256xf32>
    %max3A_596 = arith.constant 0.000000e+00 : f32
    %max3A_597 = vector.broadcast %max3A_596 : f32 to vector<256x256xf32>
    %max3A_598 = arith.maximumf %sub3A_595, %max3A_597 : vector<256x256xf32>
    %rsqrt3A_599 = math.rsqrt %max3A_598 : vector<256x256xf32>
    %mul3A_600 = arith.mulf %max3A_598, %rsqrt3A_599 : vector<256x256xf32>
    %eq3A_601 = arith.constant 0.000000e+00 : f32
    %eq3A_602 = vector.broadcast %eq3A_601 : f32 to vector<256x256xf32>
    %eq3A_603 = arith.cmpf oeq, %max3A_598, %eq3A_602 : vector<256x256xf32>
    %jit3A_604 = arith.constant 0.000000e+00 : f32
    %broadcast_in_dim3A_605 = vector.broadcast %jit3A_604 : f32 to vector<256x256xf32>
    %select_n3A_606 = arith.select %eq3A_603, %broadcast_in_dim3A_605, %mul3A_600 : vector<256x256xi1>, vector<256x256xf32>
    %lt3A_607 = arith.cmpf olt, %select_n3A_606, %min3A_577 : vector<256x256xf32>
    %jit3A_608 = arith.constant 17 : i32
    %broadcast_in_dim3A_609 = vector.broadcast %jit3A_608 : i32 to vector<256x256xi32>
    %select_n3A_610 = arith.select %lt3A_607, %broadcast_in_dim3A_609, %select_n3A_576 : vector<256x256xi1>, vector<256x256xi32>
    %min3A_611 = arith.minimumf %min3A_577, %select_n3A_606 : vector<256x256xf32>
    %get3A_612 = arith.constant 4608 : index
    %get3A_613 = arith.constant 0 : index
    %get3A_614 = vector.load %arg4[%get3A_612, %get3A_613] : memref<8192x256xf32, #tpu.memory_space<vmem>>, vector<256x256xf32>
    %get3A_615 = arith.constant 0 : index
    %get3A_616 = arith.constant 0 : index
    %get3A_617 = arith.constant 4608 : index
    %get3A_618 = vector.load %arg2[%get3A_615, %get3A_616, %get3A_617] : memref<1x1x8192xf32, #tpu.memory_space<vmem>>, vector<1x1x256xf32>
    %get3A_619 = vector.shape_cast %get3A_618 : vector<1x1x256xf32> to vector<256xf32>
    %broadcast_in_dim3A_620 = vector.shape_cast %get3A_619 : vector<256xf32> to vector<1x256xf32>
    %dot_general3A_621 = arith.constant dense<0.000000e+00> : vector<256x256xf32>
    %dot_general3A_622 = tpu.matmul %get3A_1, %get3A_614, %dot_general3A_621 {dimension_numbers = #tpu.dot_dimension_numbers<[1], [1], [0], [0], [0, 0, 1, 0], [], []>, transpose_lhs_hint = false} : vector<256x256xf32>, vector<256x256xf32>, vector<256x256xf32> -> vector<256x256xf32>
    %add3A_623 = vector.broadcast %broadcast_in_dim3A : vector<256x1xf32> to vector<256x256xf32>
    %add3A_624 = vector.broadcast %broadcast_in_dim3A_620 : vector<1x256xf32> to vector<256x256xf32>
    %add3A_625 = arith.addf %add3A_623, %add3A_624 : vector<256x256xf32>
    %mul3A_626 = arith.constant 2.000000e+00 : f32
    %mul3A_627 = vector.broadcast %mul3A_626 : f32 to vector<256x256xf32>
    %mul3A_628 = arith.mulf %mul3A_627, %dot_general3A_622 : vector<256x256xf32>
    %sub3A_629 = arith.subf %add3A_625, %mul3A_628 : vector<256x256xf32>
    %max3A_630 = arith.constant 0.000000e+00 : f32
    %max3A_631 = vector.broadcast %max3A_630 : f32 to vector<256x256xf32>
    %max3A_632 = arith.maximumf %sub3A_629, %max3A_631 : vector<256x256xf32>
    %rsqrt3A_633 = math.rsqrt %max3A_632 : vector<256x256xf32>
    %mul3A_634 = arith.mulf %max3A_632, %rsqrt3A_633 : vector<256x256xf32>
    %eq3A_635 = arith.constant 0.000000e+00 : f32
    %eq3A_636 = vector.broadcast %eq3A_635 : f32 to vector<256x256xf32>
    %eq3A_637 = arith.cmpf oeq, %max3A_632, %eq3A_636 : vector<256x256xf32>
    %jit3A_638 = arith.constant 0.000000e+00 : f32
    %broadcast_in_dim3A_639 = vector.broadcast %jit3A_638 : f32 to vector<256x256xf32>
    %select_n3A_640 = arith.select %eq3A_637, %broadcast_in_dim3A_639, %mul3A_634 : vector<256x256xi1>, vector<256x256xf32>
    %lt3A_641 = arith.cmpf olt, %select_n3A_640, %min3A_611 : vector<256x256xf32>
    %jit3A_642 = arith.constant 18 : i32
    %broadcast_in_dim3A_643 = vector.broadcast %jit3A_642 : i32 to vector<256x256xi32>
    %select_n3A_644 = arith.select %lt3A_641, %broadcast_in_dim3A_643, %select_n3A_610 : vector<256x256xi1>, vector<256x256xi32>
    %min3A_645 = arith.minimumf %min3A_611, %select_n3A_640 : vector<256x256xf32>
    %get3A_646 = arith.constant 4864 : index
    %get3A_647 = arith.constant 0 : index
    %get3A_648 = vector.load %arg4[%get3A_646, %get3A_647] : memref<8192x256xf32, #tpu.memory_space<vmem>>, vector<256x256xf32>
    %get3A_649 = arith.constant 0 : index
    %get3A_650 = arith.constant 0 : index
    %get3A_651 = arith.constant 4864 : index
    %get3A_652 = vector.load %arg2[%get3A_649, %get3A_650, %get3A_651] : memref<1x1x8192xf32, #tpu.memory_space<vmem>>, vector<1x1x256xf32>
    %get3A_653 = vector.shape_cast %get3A_652 : vector<1x1x256xf32> to vector<256xf32>
    %broadcast_in_dim3A_654 = vector.shape_cast %get3A_653 : vector<256xf32> to vector<1x256xf32>
    %dot_general3A_655 = arith.constant dense<0.000000e+00> : vector<256x256xf32>
    %dot_general3A_656 = tpu.matmul %get3A_1, %get3A_648, %dot_general3A_655 {dimension_numbers = #tpu.dot_dimension_numbers<[1], [1], [0], [0], [0, 0, 1, 0], [], []>, transpose_lhs_hint = false} : vector<256x256xf32>, vector<256x256xf32>, vector<256x256xf32> -> vector<256x256xf32>
    %add3A_657 = vector.broadcast %broadcast_in_dim3A : vector<256x1xf32> to vector<256x256xf32>
    %add3A_658 = vector.broadcast %broadcast_in_dim3A_654 : vector<1x256xf32> to vector<256x256xf32>
    %add3A_659 = arith.addf %add3A_657, %add3A_658 : vector<256x256xf32>
    %mul3A_660 = arith.constant 2.000000e+00 : f32
    %mul3A_661 = vector.broadcast %mul3A_660 : f32 to vector<256x256xf32>
    %mul3A_662 = arith.mulf %mul3A_661, %dot_general3A_656 : vector<256x256xf32>
    %sub3A_663 = arith.subf %add3A_659, %mul3A_662 : vector<256x256xf32>
    %max3A_664 = arith.constant 0.000000e+00 : f32
    %max3A_665 = vector.broadcast %max3A_664 : f32 to vector<256x256xf32>
    %max3A_666 = arith.maximumf %sub3A_663, %max3A_665 : vector<256x256xf32>
    %rsqrt3A_667 = math.rsqrt %max3A_666 : vector<256x256xf32>
    %mul3A_668 = arith.mulf %max3A_666, %rsqrt3A_667 : vector<256x256xf32>
    %eq3A_669 = arith.constant 0.000000e+00 : f32
    %eq3A_670 = vector.broadcast %eq3A_669 : f32 to vector<256x256xf32>
    %eq3A_671 = arith.cmpf oeq, %max3A_666, %eq3A_670 : vector<256x256xf32>
    %jit3A_672 = arith.constant 0.000000e+00 : f32
    %broadcast_in_dim3A_673 = vector.broadcast %jit3A_672 : f32 to vector<256x256xf32>
    %select_n3A_674 = arith.select %eq3A_671, %broadcast_in_dim3A_673, %mul3A_668 : vector<256x256xi1>, vector<256x256xf32>
    %lt3A_675 = arith.cmpf olt, %select_n3A_674, %min3A_645 : vector<256x256xf32>
    %jit3A_676 = arith.constant 19 : i32
    %broadcast_in_dim3A_677 = vector.broadcast %jit3A_676 : i32 to vector<256x256xi32>
    %select_n3A_678 = arith.select %lt3A_675, %broadcast_in_dim3A_677, %select_n3A_644 : vector<256x256xi1>, vector<256x256xi32>
    %min3A_679 = arith.minimumf %min3A_645, %select_n3A_674 : vector<256x256xf32>
    %get3A_680 = arith.constant 5120 : index
    %get3A_681 = arith.constant 0 : index
    %get3A_682 = vector.load %arg4[%get3A_680, %get3A_681] : memref<8192x256xf32, #tpu.memory_space<vmem>>, vector<256x256xf32>
    %get3A_683 = arith.constant 0 : index
    %get3A_684 = arith.constant 0 : index
    %get3A_685 = arith.constant 5120 : index
    %get3A_686 = vector.load %arg2[%get3A_683, %get3A_684, %get3A_685] : memref<1x1x8192xf32, #tpu.memory_space<vmem>>, vector<1x1x256xf32>
    %get3A_687 = vector.shape_cast %get3A_686 : vector<1x1x256xf32> to vector<256xf32>
    %broadcast_in_dim3A_688 = vector.shape_cast %get3A_687 : vector<256xf32> to vector<1x256xf32>
    %dot_general3A_689 = arith.constant dense<0.000000e+00> : vector<256x256xf32>
    %dot_general3A_690 = tpu.matmul %get3A_1, %get3A_682, %dot_general3A_689 {dimension_numbers = #tpu.dot_dimension_numbers<[1], [1], [0], [0], [0, 0, 1, 0], [], []>, transpose_lhs_hint = false} : vector<256x256xf32>, vector<256x256xf32>, vector<256x256xf32> -> vector<256x256xf32>
    %add3A_691 = vector.broadcast %broadcast_in_dim3A : vector<256x1xf32> to vector<256x256xf32>
    %add3A_692 = vector.broadcast %broadcast_in_dim3A_688 : vector<1x256xf32> to vector<256x256xf32>
    %add3A_693 = arith.addf %add3A_691, %add3A_692 : vector<256x256xf32>
    %mul3A_694 = arith.constant 2.000000e+00 : f32
    %mul3A_695 = vector.broadcast %mul3A_694 : f32 to vector<256x256xf32>
    %mul3A_696 = arith.mulf %mul3A_695, %dot_general3A_690 : vector<256x256xf32>
    %sub3A_697 = arith.subf %add3A_693, %mul3A_696 : vector<256x256xf32>
    %max3A_698 = arith.constant 0.000000e+00 : f32
    %max3A_699 = vector.broadcast %max3A_698 : f32 to vector<256x256xf32>
    %max3A_700 = arith.maximumf %sub3A_697, %max3A_699 : vector<256x256xf32>
    %rsqrt3A_701 = math.rsqrt %max3A_700 : vector<256x256xf32>
    %mul3A_702 = arith.mulf %max3A_700, %rsqrt3A_701 : vector<256x256xf32>
    %eq3A_703 = arith.constant 0.000000e+00 : f32
    %eq3A_704 = vector.broadcast %eq3A_703 : f32 to vector<256x256xf32>
    %eq3A_705 = arith.cmpf oeq, %max3A_700, %eq3A_704 : vector<256x256xf32>
    %jit3A_706 = arith.constant 0.000000e+00 : f32
    %broadcast_in_dim3A_707 = vector.broadcast %jit3A_706 : f32 to vector<256x256xf32>
    %select_n3A_708 = arith.select %eq3A_705, %broadcast_in_dim3A_707, %mul3A_702 : vector<256x256xi1>, vector<256x256xf32>
    %lt3A_709 = arith.cmpf olt, %select_n3A_708, %min3A_679 : vector<256x256xf32>
    %jit3A_710 = arith.constant 20 : i32
    %broadcast_in_dim3A_711 = vector.broadcast %jit3A_710 : i32 to vector<256x256xi32>
    %select_n3A_712 = arith.select %lt3A_709, %broadcast_in_dim3A_711, %select_n3A_678 : vector<256x256xi1>, vector<256x256xi32>
    %min3A_713 = arith.minimumf %min3A_679, %select_n3A_708 : vector<256x256xf32>
    %get3A_714 = arith.constant 5376 : index
    %get3A_715 = arith.constant 0 : index
    %get3A_716 = vector.load %arg4[%get3A_714, %get3A_715] : memref<8192x256xf32, #tpu.memory_space<vmem>>, vector<256x256xf32>
    %get3A_717 = arith.constant 0 : index
    %get3A_718 = arith.constant 0 : index
    %get3A_719 = arith.constant 5376 : index
    %get3A_720 = vector.load %arg2[%get3A_717, %get3A_718, %get3A_719] : memref<1x1x8192xf32, #tpu.memory_space<vmem>>, vector<1x1x256xf32>
    %get3A_721 = vector.shape_cast %get3A_720 : vector<1x1x256xf32> to vector<256xf32>
    %broadcast_in_dim3A_722 = vector.shape_cast %get3A_721 : vector<256xf32> to vector<1x256xf32>
    %dot_general3A_723 = arith.constant dense<0.000000e+00> : vector<256x256xf32>
    %dot_general3A_724 = tpu.matmul %get3A_1, %get3A_716, %dot_general3A_723 {dimension_numbers = #tpu.dot_dimension_numbers<[1], [1], [0], [0], [0, 0, 1, 0], [], []>, transpose_lhs_hint = false} : vector<256x256xf32>, vector<256x256xf32>, vector<256x256xf32> -> vector<256x256xf32>
    %add3A_725 = vector.broadcast %broadcast_in_dim3A : vector<256x1xf32> to vector<256x256xf32>
    %add3A_726 = vector.broadcast %broadcast_in_dim3A_722 : vector<1x256xf32> to vector<256x256xf32>
    %add3A_727 = arith.addf %add3A_725, %add3A_726 : vector<256x256xf32>
    %mul3A_728 = arith.constant 2.000000e+00 : f32
    %mul3A_729 = vector.broadcast %mul3A_728 : f32 to vector<256x256xf32>
    %mul3A_730 = arith.mulf %mul3A_729, %dot_general3A_724 : vector<256x256xf32>
    %sub3A_731 = arith.subf %add3A_727, %mul3A_730 : vector<256x256xf32>
    %max3A_732 = arith.constant 0.000000e+00 : f32
    %max3A_733 = vector.broadcast %max3A_732 : f32 to vector<256x256xf32>
    %max3A_734 = arith.maximumf %sub3A_731, %max3A_733 : vector<256x256xf32>
    %rsqrt3A_735 = math.rsqrt %max3A_734 : vector<256x256xf32>
    %mul3A_736 = arith.mulf %max3A_734, %rsqrt3A_735 : vector<256x256xf32>
    %eq3A_737 = arith.constant 0.000000e+00 : f32
    %eq3A_738 = vector.broadcast %eq3A_737 : f32 to vector<256x256xf32>
    %eq3A_739 = arith.cmpf oeq, %max3A_734, %eq3A_738 : vector<256x256xf32>
    %jit3A_740 = arith.constant 0.000000e+00 : f32
    %broadcast_in_dim3A_741 = vector.broadcast %jit3A_740 : f32 to vector<256x256xf32>
    %select_n3A_742 = arith.select %eq3A_739, %broadcast_in_dim3A_741, %mul3A_736 : vector<256x256xi1>, vector<256x256xf32>
    %lt3A_743 = arith.cmpf olt, %select_n3A_742, %min3A_713 : vector<256x256xf32>
    %jit3A_744 = arith.constant 21 : i32
    %broadcast_in_dim3A_745 = vector.broadcast %jit3A_744 : i32 to vector<256x256xi32>
    %select_n3A_746 = arith.select %lt3A_743, %broadcast_in_dim3A_745, %select_n3A_712 : vector<256x256xi1>, vector<256x256xi32>
    %min3A_747 = arith.minimumf %min3A_713, %select_n3A_742 : vector<256x256xf32>
    %get3A_748 = arith.constant 5632 : index
    %get3A_749 = arith.constant 0 : index
    %get3A_750 = vector.load %arg4[%get3A_748, %get3A_749] : memref<8192x256xf32, #tpu.memory_space<vmem>>, vector<256x256xf32>
    %get3A_751 = arith.constant 0 : index
    %get3A_752 = arith.constant 0 : index
    %get3A_753 = arith.constant 5632 : index
    %get3A_754 = vector.load %arg2[%get3A_751, %get3A_752, %get3A_753] : memref<1x1x8192xf32, #tpu.memory_space<vmem>>, vector<1x1x256xf32>
    %get3A_755 = vector.shape_cast %get3A_754 : vector<1x1x256xf32> to vector<256xf32>
    %broadcast_in_dim3A_756 = vector.shape_cast %get3A_755 : vector<256xf32> to vector<1x256xf32>
    %dot_general3A_757 = arith.constant dense<0.000000e+00> : vector<256x256xf32>
    %dot_general3A_758 = tpu.matmul %get3A_1, %get3A_750, %dot_general3A_757 {dimension_numbers = #tpu.dot_dimension_numbers<[1], [1], [0], [0], [0, 0, 1, 0], [], []>, transpose_lhs_hint = false} : vector<256x256xf32>, vector<256x256xf32>, vector<256x256xf32> -> vector<256x256xf32>
    %add3A_759 = vector.broadcast %broadcast_in_dim3A : vector<256x1xf32> to vector<256x256xf32>
    %add3A_760 = vector.broadcast %broadcast_in_dim3A_756 : vector<1x256xf32> to vector<256x256xf32>
    %add3A_761 = arith.addf %add3A_759, %add3A_760 : vector<256x256xf32>
    %mul3A_762 = arith.constant 2.000000e+00 : f32
    %mul3A_763 = vector.broadcast %mul3A_762 : f32 to vector<256x256xf32>
    %mul3A_764 = arith.mulf %mul3A_763, %dot_general3A_758 : vector<256x256xf32>
    %sub3A_765 = arith.subf %add3A_761, %mul3A_764 : vector<256x256xf32>
    %max3A_766 = arith.constant 0.000000e+00 : f32
    %max3A_767 = vector.broadcast %max3A_766 : f32 to vector<256x256xf32>
    %max3A_768 = arith.maximumf %sub3A_765, %max3A_767 : vector<256x256xf32>
    %rsqrt3A_769 = math.rsqrt %max3A_768 : vector<256x256xf32>
    %mul3A_770 = arith.mulf %max3A_768, %rsqrt3A_769 : vector<256x256xf32>
    %eq3A_771 = arith.constant 0.000000e+00 : f32
    %eq3A_772 = vector.broadcast %eq3A_771 : f32 to vector<256x256xf32>
    %eq3A_773 = arith.cmpf oeq, %max3A_768, %eq3A_772 : vector<256x256xf32>
    %jit3A_774 = arith.constant 0.000000e+00 : f32
    %broadcast_in_dim3A_775 = vector.broadcast %jit3A_774 : f32 to vector<256x256xf32>
    %select_n3A_776 = arith.select %eq3A_773, %broadcast_in_dim3A_775, %mul3A_770 : vector<256x256xi1>, vector<256x256xf32>
    %lt3A_777 = arith.cmpf olt, %select_n3A_776, %min3A_747 : vector<256x256xf32>
    %jit3A_778 = arith.constant 22 : i32
    %broadcast_in_dim3A_779 = vector.broadcast %jit3A_778 : i32 to vector<256x256xi32>
    %select_n3A_780 = arith.select %lt3A_777, %broadcast_in_dim3A_779, %select_n3A_746 : vector<256x256xi1>, vector<256x256xi32>
    %min3A_781 = arith.minimumf %min3A_747, %select_n3A_776 : vector<256x256xf32>
    %get3A_782 = arith.constant 5888 : index
    %get3A_783 = arith.constant 0 : index
    %get3A_784 = vector.load %arg4[%get3A_782, %get3A_783] : memref<8192x256xf32, #tpu.memory_space<vmem>>, vector<256x256xf32>
    %get3A_785 = arith.constant 0 : index
    %get3A_786 = arith.constant 0 : index
    %get3A_787 = arith.constant 5888 : index
    %get3A_788 = vector.load %arg2[%get3A_785, %get3A_786, %get3A_787] : memref<1x1x8192xf32, #tpu.memory_space<vmem>>, vector<1x1x256xf32>
    %get3A_789 = vector.shape_cast %get3A_788 : vector<1x1x256xf32> to vector<256xf32>
    %broadcast_in_dim3A_790 = vector.shape_cast %get3A_789 : vector<256xf32> to vector<1x256xf32>
    %dot_general3A_791 = arith.constant dense<0.000000e+00> : vector<256x256xf32>
    %dot_general3A_792 = tpu.matmul %get3A_1, %get3A_784, %dot_general3A_791 {dimension_numbers = #tpu.dot_dimension_numbers<[1], [1], [0], [0], [0, 0, 1, 0], [], []>, transpose_lhs_hint = false} : vector<256x256xf32>, vector<256x256xf32>, vector<256x256xf32> -> vector<256x256xf32>
    %add3A_793 = vector.broadcast %broadcast_in_dim3A : vector<256x1xf32> to vector<256x256xf32>
    %add3A_794 = vector.broadcast %broadcast_in_dim3A_790 : vector<1x256xf32> to vector<256x256xf32>
    %add3A_795 = arith.addf %add3A_793, %add3A_794 : vector<256x256xf32>
    %mul3A_796 = arith.constant 2.000000e+00 : f32
    %mul3A_797 = vector.broadcast %mul3A_796 : f32 to vector<256x256xf32>
    %mul3A_798 = arith.mulf %mul3A_797, %dot_general3A_792 : vector<256x256xf32>
    %sub3A_799 = arith.subf %add3A_795, %mul3A_798 : vector<256x256xf32>
    %max3A_800 = arith.constant 0.000000e+00 : f32
    %max3A_801 = vector.broadcast %max3A_800 : f32 to vector<256x256xf32>
    %max3A_802 = arith.maximumf %sub3A_799, %max3A_801 : vector<256x256xf32>
    %rsqrt3A_803 = math.rsqrt %max3A_802 : vector<256x256xf32>
    %mul3A_804 = arith.mulf %max3A_802, %rsqrt3A_803 : vector<256x256xf32>
    %eq3A_805 = arith.constant 0.000000e+00 : f32
    %eq3A_806 = vector.broadcast %eq3A_805 : f32 to vector<256x256xf32>
    %eq3A_807 = arith.cmpf oeq, %max3A_802, %eq3A_806 : vector<256x256xf32>
    %jit3A_808 = arith.constant 0.000000e+00 : f32
    %broadcast_in_dim3A_809 = vector.broadcast %jit3A_808 : f32 to vector<256x256xf32>
    %select_n3A_810 = arith.select %eq3A_807, %broadcast_in_dim3A_809, %mul3A_804 : vector<256x256xi1>, vector<256x256xf32>
    %lt3A_811 = arith.cmpf olt, %select_n3A_810, %min3A_781 : vector<256x256xf32>
    %jit3A_812 = arith.constant 23 : i32
    %broadcast_in_dim3A_813 = vector.broadcast %jit3A_812 : i32 to vector<256x256xi32>
    %select_n3A_814 = arith.select %lt3A_811, %broadcast_in_dim3A_813, %select_n3A_780 : vector<256x256xi1>, vector<256x256xi32>
    %min3A_815 = arith.minimumf %min3A_781, %select_n3A_810 : vector<256x256xf32>
    %get3A_816 = arith.constant 6144 : index
    %get3A_817 = arith.constant 0 : index
    %get3A_818 = vector.load %arg4[%get3A_816, %get3A_817] : memref<8192x256xf32, #tpu.memory_space<vmem>>, vector<256x256xf32>
    %get3A_819 = arith.constant 0 : index
    %get3A_820 = arith.constant 0 : index
    %get3A_821 = arith.constant 6144 : index
    %get3A_822 = vector.load %arg2[%get3A_819, %get3A_820, %get3A_821] : memref<1x1x8192xf32, #tpu.memory_space<vmem>>, vector<1x1x256xf32>
    %get3A_823 = vector.shape_cast %get3A_822 : vector<1x1x256xf32> to vector<256xf32>
    %broadcast_in_dim3A_824 = vector.shape_cast %get3A_823 : vector<256xf32> to vector<1x256xf32>
    %dot_general3A_825 = arith.constant dense<0.000000e+00> : vector<256x256xf32>
    %dot_general3A_826 = tpu.matmul %get3A_1, %get3A_818, %dot_general3A_825 {dimension_numbers = #tpu.dot_dimension_numbers<[1], [1], [0], [0], [0, 0, 1, 0], [], []>, transpose_lhs_hint = false} : vector<256x256xf32>, vector<256x256xf32>, vector<256x256xf32> -> vector<256x256xf32>
    %add3A_827 = vector.broadcast %broadcast_in_dim3A : vector<256x1xf32> to vector<256x256xf32>
    %add3A_828 = vector.broadcast %broadcast_in_dim3A_824 : vector<1x256xf32> to vector<256x256xf32>
    %add3A_829 = arith.addf %add3A_827, %add3A_828 : vector<256x256xf32>
    %mul3A_830 = arith.constant 2.000000e+00 : f32
    %mul3A_831 = vector.broadcast %mul3A_830 : f32 to vector<256x256xf32>
    %mul3A_832 = arith.mulf %mul3A_831, %dot_general3A_826 : vector<256x256xf32>
    %sub3A_833 = arith.subf %add3A_829, %mul3A_832 : vector<256x256xf32>
    %max3A_834 = arith.constant 0.000000e+00 : f32
    %max3A_835 = vector.broadcast %max3A_834 : f32 to vector<256x256xf32>
    %max3A_836 = arith.maximumf %sub3A_833, %max3A_835 : vector<256x256xf32>
    %rsqrt3A_837 = math.rsqrt %max3A_836 : vector<256x256xf32>
    %mul3A_838 = arith.mulf %max3A_836, %rsqrt3A_837 : vector<256x256xf32>
    %eq3A_839 = arith.constant 0.000000e+00 : f32
    %eq3A_840 = vector.broadcast %eq3A_839 : f32 to vector<256x256xf32>
    %eq3A_841 = arith.cmpf oeq, %max3A_836, %eq3A_840 : vector<256x256xf32>
    %jit3A_842 = arith.constant 0.000000e+00 : f32
    %broadcast_in_dim3A_843 = vector.broadcast %jit3A_842 : f32 to vector<256x256xf32>
    %select_n3A_844 = arith.select %eq3A_841, %broadcast_in_dim3A_843, %mul3A_838 : vector<256x256xi1>, vector<256x256xf32>
    %lt3A_845 = arith.cmpf olt, %select_n3A_844, %min3A_815 : vector<256x256xf32>
    %jit3A_846 = arith.constant 24 : i32
    %broadcast_in_dim3A_847 = vector.broadcast %jit3A_846 : i32 to vector<256x256xi32>
    %select_n3A_848 = arith.select %lt3A_845, %broadcast_in_dim3A_847, %select_n3A_814 : vector<256x256xi1>, vector<256x256xi32>
    %min3A_849 = arith.minimumf %min3A_815, %select_n3A_844 : vector<256x256xf32>
    %get3A_850 = arith.constant 6400 : index
    %get3A_851 = arith.constant 0 : index
    %get3A_852 = vector.load %arg4[%get3A_850, %get3A_851] : memref<8192x256xf32, #tpu.memory_space<vmem>>, vector<256x256xf32>
    %get3A_853 = arith.constant 0 : index
    %get3A_854 = arith.constant 0 : index
    %get3A_855 = arith.constant 6400 : index
    %get3A_856 = vector.load %arg2[%get3A_853, %get3A_854, %get3A_855] : memref<1x1x8192xf32, #tpu.memory_space<vmem>>, vector<1x1x256xf32>
    %get3A_857 = vector.shape_cast %get3A_856 : vector<1x1x256xf32> to vector<256xf32>
    %broadcast_in_dim3A_858 = vector.shape_cast %get3A_857 : vector<256xf32> to vector<1x256xf32>
    %dot_general3A_859 = arith.constant dense<0.000000e+00> : vector<256x256xf32>
    %dot_general3A_860 = tpu.matmul %get3A_1, %get3A_852, %dot_general3A_859 {dimension_numbers = #tpu.dot_dimension_numbers<[1], [1], [0], [0], [0, 0, 1, 0], [], []>, transpose_lhs_hint = false} : vector<256x256xf32>, vector<256x256xf32>, vector<256x256xf32> -> vector<256x256xf32>
    %add3A_861 = vector.broadcast %broadcast_in_dim3A : vector<256x1xf32> to vector<256x256xf32>
    %add3A_862 = vector.broadcast %broadcast_in_dim3A_858 : vector<1x256xf32> to vector<256x256xf32>
    %add3A_863 = arith.addf %add3A_861, %add3A_862 : vector<256x256xf32>
    %mul3A_864 = arith.constant 2.000000e+00 : f32
    %mul3A_865 = vector.broadcast %mul3A_864 : f32 to vector<256x256xf32>
    %mul3A_866 = arith.mulf %mul3A_865, %dot_general3A_860 : vector<256x256xf32>
    %sub3A_867 = arith.subf %add3A_863, %mul3A_866 : vector<256x256xf32>
    %max3A_868 = arith.constant 0.000000e+00 : f32
    %max3A_869 = vector.broadcast %max3A_868 : f32 to vector<256x256xf32>
    %max3A_870 = arith.maximumf %sub3A_867, %max3A_869 : vector<256x256xf32>
    %rsqrt3A_871 = math.rsqrt %max3A_870 : vector<256x256xf32>
    %mul3A_872 = arith.mulf %max3A_870, %rsqrt3A_871 : vector<256x256xf32>
    %eq3A_873 = arith.constant 0.000000e+00 : f32
    %eq3A_874 = vector.broadcast %eq3A_873 : f32 to vector<256x256xf32>
    %eq3A_875 = arith.cmpf oeq, %max3A_870, %eq3A_874 : vector<256x256xf32>
    %jit3A_876 = arith.constant 0.000000e+00 : f32
    %broadcast_in_dim3A_877 = vector.broadcast %jit3A_876 : f32 to vector<256x256xf32>
    %select_n3A_878 = arith.select %eq3A_875, %broadcast_in_dim3A_877, %mul3A_872 : vector<256x256xi1>, vector<256x256xf32>
    %lt3A_879 = arith.cmpf olt, %select_n3A_878, %min3A_849 : vector<256x256xf32>
    %jit3A_880 = arith.constant 25 : i32
    %broadcast_in_dim3A_881 = vector.broadcast %jit3A_880 : i32 to vector<256x256xi32>
    %select_n3A_882 = arith.select %lt3A_879, %broadcast_in_dim3A_881, %select_n3A_848 : vector<256x256xi1>, vector<256x256xi32>
    %min3A_883 = arith.minimumf %min3A_849, %select_n3A_878 : vector<256x256xf32>
    %get3A_884 = arith.constant 6656 : index
    %get3A_885 = arith.constant 0 : index
    %get3A_886 = vector.load %arg4[%get3A_884, %get3A_885] : memref<8192x256xf32, #tpu.memory_space<vmem>>, vector<256x256xf32>
    %get3A_887 = arith.constant 0 : index
    %get3A_888 = arith.constant 0 : index
    %get3A_889 = arith.constant 6656 : index
    %get3A_890 = vector.load %arg2[%get3A_887, %get3A_888, %get3A_889] : memref<1x1x8192xf32, #tpu.memory_space<vmem>>, vector<1x1x256xf32>
    %get3A_891 = vector.shape_cast %get3A_890 : vector<1x1x256xf32> to vector<256xf32>
    %broadcast_in_dim3A_892 = vector.shape_cast %get3A_891 : vector<256xf32> to vector<1x256xf32>
    %dot_general3A_893 = arith.constant dense<0.000000e+00> : vector<256x256xf32>
    %dot_general3A_894 = tpu.matmul %get3A_1, %get3A_886, %dot_general3A_893 {dimension_numbers = #tpu.dot_dimension_numbers<[1], [1], [0], [0], [0, 0, 1, 0], [], []>, transpose_lhs_hint = false} : vector<256x256xf32>, vector<256x256xf32>, vector<256x256xf32> -> vector<256x256xf32>
    %add3A_895 = vector.broadcast %broadcast_in_dim3A : vector<256x1xf32> to vector<256x256xf32>
    %add3A_896 = vector.broadcast %broadcast_in_dim3A_892 : vector<1x256xf32> to vector<256x256xf32>
    %add3A_897 = arith.addf %add3A_895, %add3A_896 : vector<256x256xf32>
    %mul3A_898 = arith.constant 2.000000e+00 : f32
    %mul3A_899 = vector.broadcast %mul3A_898 : f32 to vector<256x256xf32>
    %mul3A_900 = arith.mulf %mul3A_899, %dot_general3A_894 : vector<256x256xf32>
    %sub3A_901 = arith.subf %add3A_897, %mul3A_900 : vector<256x256xf32>
    %max3A_902 = arith.constant 0.000000e+00 : f32
    %max3A_903 = vector.broadcast %max3A_902 : f32 to vector<256x256xf32>
    %max3A_904 = arith.maximumf %sub3A_901, %max3A_903 : vector<256x256xf32>
    %rsqrt3A_905 = math.rsqrt %max3A_904 : vector<256x256xf32>
    %mul3A_906 = arith.mulf %max3A_904, %rsqrt3A_905 : vector<256x256xf32>
    %eq3A_907 = arith.constant 0.000000e+00 : f32
    %eq3A_908 = vector.broadcast %eq3A_907 : f32 to vector<256x256xf32>
    %eq3A_909 = arith.cmpf oeq, %max3A_904, %eq3A_908 : vector<256x256xf32>
    %jit3A_910 = arith.constant 0.000000e+00 : f32
    %broadcast_in_dim3A_911 = vector.broadcast %jit3A_910 : f32 to vector<256x256xf32>
    %select_n3A_912 = arith.select %eq3A_909, %broadcast_in_dim3A_911, %mul3A_906 : vector<256x256xi1>, vector<256x256xf32>
    %lt3A_913 = arith.cmpf olt, %select_n3A_912, %min3A_883 : vector<256x256xf32>
    %jit3A_914 = arith.constant 26 : i32
    %broadcast_in_dim3A_915 = vector.broadcast %jit3A_914 : i32 to vector<256x256xi32>
    %select_n3A_916 = arith.select %lt3A_913, %broadcast_in_dim3A_915, %select_n3A_882 : vector<256x256xi1>, vector<256x256xi32>
    %min3A_917 = arith.minimumf %min3A_883, %select_n3A_912 : vector<256x256xf32>
    %get3A_918 = arith.constant 6912 : index
    %get3A_919 = arith.constant 0 : index
    %get3A_920 = vector.load %arg4[%get3A_918, %get3A_919] : memref<8192x256xf32, #tpu.memory_space<vmem>>, vector<256x256xf32>
    %get3A_921 = arith.constant 0 : index
    %get3A_922 = arith.constant 0 : index
    %get3A_923 = arith.constant 6912 : index
    %get3A_924 = vector.load %arg2[%get3A_921, %get3A_922, %get3A_923] : memref<1x1x8192xf32, #tpu.memory_space<vmem>>, vector<1x1x256xf32>
    %get3A_925 = vector.shape_cast %get3A_924 : vector<1x1x256xf32> to vector<256xf32>
    %broadcast_in_dim3A_926 = vector.shape_cast %get3A_925 : vector<256xf32> to vector<1x256xf32>
    %dot_general3A_927 = arith.constant dense<0.000000e+00> : vector<256x256xf32>
    %dot_general3A_928 = tpu.matmul %get3A_1, %get3A_920, %dot_general3A_927 {dimension_numbers = #tpu.dot_dimension_numbers<[1], [1], [0], [0], [0, 0, 1, 0], [], []>, transpose_lhs_hint = false} : vector<256x256xf32>, vector<256x256xf32>, vector<256x256xf32> -> vector<256x256xf32>
    %add3A_929 = vector.broadcast %broadcast_in_dim3A : vector<256x1xf32> to vector<256x256xf32>
    %add3A_930 = vector.broadcast %broadcast_in_dim3A_926 : vector<1x256xf32> to vector<256x256xf32>
    %add3A_931 = arith.addf %add3A_929, %add3A_930 : vector<256x256xf32>
    %mul3A_932 = arith.constant 2.000000e+00 : f32
    %mul3A_933 = vector.broadcast %mul3A_932 : f32 to vector<256x256xf32>
    %mul3A_934 = arith.mulf %mul3A_933, %dot_general3A_928 : vector<256x256xf32>
    %sub3A_935 = arith.subf %add3A_931, %mul3A_934 : vector<256x256xf32>
    %max3A_936 = arith.constant 0.000000e+00 : f32
    %max3A_937 = vector.broadcast %max3A_936 : f32 to vector<256x256xf32>
    %max3A_938 = arith.maximumf %sub3A_935, %max3A_937 : vector<256x256xf32>
    %rsqrt3A_939 = math.rsqrt %max3A_938 : vector<256x256xf32>
    %mul3A_940 = arith.mulf %max3A_938, %rsqrt3A_939 : vector<256x256xf32>
    %eq3A_941 = arith.constant 0.000000e+00 : f32
    %eq3A_942 = vector.broadcast %eq3A_941 : f32 to vector<256x256xf32>
    %eq3A_943 = arith.cmpf oeq, %max3A_938, %eq3A_942 : vector<256x256xf32>
    %jit3A_944 = arith.constant 0.000000e+00 : f32
    %broadcast_in_dim3A_945 = vector.broadcast %jit3A_944 : f32 to vector<256x256xf32>
    %select_n3A_946 = arith.select %eq3A_943, %broadcast_in_dim3A_945, %mul3A_940 : vector<256x256xi1>, vector<256x256xf32>
    %lt3A_947 = arith.cmpf olt, %select_n3A_946, %min3A_917 : vector<256x256xf32>
    %jit3A_948 = arith.constant 27 : i32
    %broadcast_in_dim3A_949 = vector.broadcast %jit3A_948 : i32 to vector<256x256xi32>
    %select_n3A_950 = arith.select %lt3A_947, %broadcast_in_dim3A_949, %select_n3A_916 : vector<256x256xi1>, vector<256x256xi32>
    %min3A_951 = arith.minimumf %min3A_917, %select_n3A_946 : vector<256x256xf32>
    %get3A_952 = arith.constant 7168 : index
    %get3A_953 = arith.constant 0 : index
    %get3A_954 = vector.load %arg4[%get3A_952, %get3A_953] : memref<8192x256xf32, #tpu.memory_space<vmem>>, vector<256x256xf32>
    %get3A_955 = arith.constant 0 : index
    %get3A_956 = arith.constant 0 : index
    %get3A_957 = arith.constant 7168 : index
    %get3A_958 = vector.load %arg2[%get3A_955, %get3A_956, %get3A_957] : memref<1x1x8192xf32, #tpu.memory_space<vmem>>, vector<1x1x256xf32>
    %get3A_959 = vector.shape_cast %get3A_958 : vector<1x1x256xf32> to vector<256xf32>
    %broadcast_in_dim3A_960 = vector.shape_cast %get3A_959 : vector<256xf32> to vector<1x256xf32>
    %dot_general3A_961 = arith.constant dense<0.000000e+00> : vector<256x256xf32>
    %dot_general3A_962 = tpu.matmul %get3A_1, %get3A_954, %dot_general3A_961 {dimension_numbers = #tpu.dot_dimension_numbers<[1], [1], [0], [0], [0, 0, 1, 0], [], []>, transpose_lhs_hint = false} : vector<256x256xf32>, vector<256x256xf32>, vector<256x256xf32> -> vector<256x256xf32>
    %add3A_963 = vector.broadcast %broadcast_in_dim3A : vector<256x1xf32> to vector<256x256xf32>
    %add3A_964 = vector.broadcast %broadcast_in_dim3A_960 : vector<1x256xf32> to vector<256x256xf32>
    %add3A_965 = arith.addf %add3A_963, %add3A_964 : vector<256x256xf32>
    %mul3A_966 = arith.constant 2.000000e+00 : f32
    %mul3A_967 = vector.broadcast %mul3A_966 : f32 to vector<256x256xf32>
    %mul3A_968 = arith.mulf %mul3A_967, %dot_general3A_962 : vector<256x256xf32>
    %sub3A_969 = arith.subf %add3A_965, %mul3A_968 : vector<256x256xf32>
    %max3A_970 = arith.constant 0.000000e+00 : f32
    %max3A_971 = vector.broadcast %max3A_970 : f32 to vector<256x256xf32>
    %max3A_972 = arith.maximumf %sub3A_969, %max3A_971 : vector<256x256xf32>
    %rsqrt3A_973 = math.rsqrt %max3A_972 : vector<256x256xf32>
    %mul3A_974 = arith.mulf %max3A_972, %rsqrt3A_973 : vector<256x256xf32>
    %eq3A_975 = arith.constant 0.000000e+00 : f32
    %eq3A_976 = vector.broadcast %eq3A_975 : f32 to vector<256x256xf32>
    %eq3A_977 = arith.cmpf oeq, %max3A_972, %eq3A_976 : vector<256x256xf32>
    %jit3A_978 = arith.constant 0.000000e+00 : f32
    %broadcast_in_dim3A_979 = vector.broadcast %jit3A_978 : f32 to vector<256x256xf32>
    %select_n3A_980 = arith.select %eq3A_977, %broadcast_in_dim3A_979, %mul3A_974 : vector<256x256xi1>, vector<256x256xf32>
    %lt3A_981 = arith.cmpf olt, %select_n3A_980, %min3A_951 : vector<256x256xf32>
    %jit3A_982 = arith.constant 28 : i32
    %broadcast_in_dim3A_983 = vector.broadcast %jit3A_982 : i32 to vector<256x256xi32>
    %select_n3A_984 = arith.select %lt3A_981, %broadcast_in_dim3A_983, %select_n3A_950 : vector<256x256xi1>, vector<256x256xi32>
    %min3A_985 = arith.minimumf %min3A_951, %select_n3A_980 : vector<256x256xf32>
    %get3A_986 = arith.constant 7424 : index
    %get3A_987 = arith.constant 0 : index
    %get3A_988 = vector.load %arg4[%get3A_986, %get3A_987] : memref<8192x256xf32, #tpu.memory_space<vmem>>, vector<256x256xf32>
    %get3A_989 = arith.constant 0 : index
    %get3A_990 = arith.constant 0 : index
    %get3A_991 = arith.constant 7424 : index
    %get3A_992 = vector.load %arg2[%get3A_989, %get3A_990, %get3A_991] : memref<1x1x8192xf32, #tpu.memory_space<vmem>>, vector<1x1x256xf32>
    %get3A_993 = vector.shape_cast %get3A_992 : vector<1x1x256xf32> to vector<256xf32>
    %broadcast_in_dim3A_994 = vector.shape_cast %get3A_993 : vector<256xf32> to vector<1x256xf32>
    %dot_general3A_995 = arith.constant dense<0.000000e+00> : vector<256x256xf32>
    %dot_general3A_996 = tpu.matmul %get3A_1, %get3A_988, %dot_general3A_995 {dimension_numbers = #tpu.dot_dimension_numbers<[1], [1], [0], [0], [0, 0, 1, 0], [], []>, transpose_lhs_hint = false} : vector<256x256xf32>, vector<256x256xf32>, vector<256x256xf32> -> vector<256x256xf32>
    %add3A_997 = vector.broadcast %broadcast_in_dim3A : vector<256x1xf32> to vector<256x256xf32>
    %add3A_998 = vector.broadcast %broadcast_in_dim3A_994 : vector<1x256xf32> to vector<256x256xf32>
    %add3A_999 = arith.addf %add3A_997, %add3A_998 : vector<256x256xf32>
    %mul3A_1000 = arith.constant 2.000000e+00 : f32
    %mul3A_1001 = vector.broadcast %mul3A_1000 : f32 to vector<256x256xf32>
    %mul3A_1002 = arith.mulf %mul3A_1001, %dot_general3A_996 : vector<256x256xf32>
    %sub3A_1003 = arith.subf %add3A_999, %mul3A_1002 : vector<256x256xf32>
    %max3A_1004 = arith.constant 0.000000e+00 : f32
    %max3A_1005 = vector.broadcast %max3A_1004 : f32 to vector<256x256xf32>
    %max3A_1006 = arith.maximumf %sub3A_1003, %max3A_1005 : vector<256x256xf32>
    %rsqrt3A_1007 = math.rsqrt %max3A_1006 : vector<256x256xf32>
    %mul3A_1008 = arith.mulf %max3A_1006, %rsqrt3A_1007 : vector<256x256xf32>
    %eq3A_1009 = arith.constant 0.000000e+00 : f32
    %eq3A_1010 = vector.broadcast %eq3A_1009 : f32 to vector<256x256xf32>
    %eq3A_1011 = arith.cmpf oeq, %max3A_1006, %eq3A_1010 : vector<256x256xf32>
    %jit3A_1012 = arith.constant 0.000000e+00 : f32
    %broadcast_in_dim3A_1013 = vector.broadcast %jit3A_1012 : f32 to vector<256x256xf32>
    %select_n3A_1014 = arith.select %eq3A_1011, %broadcast_in_dim3A_1013, %mul3A_1008 : vector<256x256xi1>, vector<256x256xf32>
    %lt3A_1015 = arith.cmpf olt, %select_n3A_1014, %min3A_985 : vector<256x256xf32>
    %jit3A_1016 = arith.constant 29 : i32
    %broadcast_in_dim3A_1017 = vector.broadcast %jit3A_1016 : i32 to vector<256x256xi32>
    %select_n3A_1018 = arith.select %lt3A_1015, %broadcast_in_dim3A_1017, %select_n3A_984 : vector<256x256xi1>, vector<256x256xi32>
    %min3A_1019 = arith.minimumf %min3A_985, %select_n3A_1014 : vector<256x256xf32>
    %get3A_1020 = arith.constant 7680 : index
    %get3A_1021 = arith.constant 0 : index
    %get3A_1022 = vector.load %arg4[%get3A_1020, %get3A_1021] : memref<8192x256xf32, #tpu.memory_space<vmem>>, vector<256x256xf32>
    %get3A_1023 = arith.constant 0 : index
    %get3A_1024 = arith.constant 0 : index
    %get3A_1025 = arith.constant 7680 : index
    %get3A_1026 = vector.load %arg2[%get3A_1023, %get3A_1024, %get3A_1025] : memref<1x1x8192xf32, #tpu.memory_space<vmem>>, vector<1x1x256xf32>
    %get3A_1027 = vector.shape_cast %get3A_1026 : vector<1x1x256xf32> to vector<256xf32>
    %broadcast_in_dim3A_1028 = vector.shape_cast %get3A_1027 : vector<256xf32> to vector<1x256xf32>
    %dot_general3A_1029 = arith.constant dense<0.000000e+00> : vector<256x256xf32>
    %dot_general3A_1030 = tpu.matmul %get3A_1, %get3A_1022, %dot_general3A_1029 {dimension_numbers = #tpu.dot_dimension_numbers<[1], [1], [0], [0], [0, 0, 1, 0], [], []>, transpose_lhs_hint = false} : vector<256x256xf32>, vector<256x256xf32>, vector<256x256xf32> -> vector<256x256xf32>
    %add3A_1031 = vector.broadcast %broadcast_in_dim3A : vector<256x1xf32> to vector<256x256xf32>
    %add3A_1032 = vector.broadcast %broadcast_in_dim3A_1028 : vector<1x256xf32> to vector<256x256xf32>
    %add3A_1033 = arith.addf %add3A_1031, %add3A_1032 : vector<256x256xf32>
    %mul3A_1034 = arith.constant 2.000000e+00 : f32
    %mul3A_1035 = vector.broadcast %mul3A_1034 : f32 to vector<256x256xf32>
    %mul3A_1036 = arith.mulf %mul3A_1035, %dot_general3A_1030 : vector<256x256xf32>
    %sub3A_1037 = arith.subf %add3A_1033, %mul3A_1036 : vector<256x256xf32>
    %max3A_1038 = arith.constant 0.000000e+00 : f32
    %max3A_1039 = vector.broadcast %max3A_1038 : f32 to vector<256x256xf32>
    %max3A_1040 = arith.maximumf %sub3A_1037, %max3A_1039 : vector<256x256xf32>
    %rsqrt3A_1041 = math.rsqrt %max3A_1040 : vector<256x256xf32>
    %mul3A_1042 = arith.mulf %max3A_1040, %rsqrt3A_1041 : vector<256x256xf32>
    %eq3A_1043 = arith.constant 0.000000e+00 : f32
    %eq3A_1044 = vector.broadcast %eq3A_1043 : f32 to vector<256x256xf32>
    %eq3A_1045 = arith.cmpf oeq, %max3A_1040, %eq3A_1044 : vector<256x256xf32>
    %jit3A_1046 = arith.constant 0.000000e+00 : f32
    %broadcast_in_dim3A_1047 = vector.broadcast %jit3A_1046 : f32 to vector<256x256xf32>
    %select_n3A_1048 = arith.select %eq3A_1045, %broadcast_in_dim3A_1047, %mul3A_1042 : vector<256x256xi1>, vector<256x256xf32>
    %lt3A_1049 = arith.cmpf olt, %select_n3A_1048, %min3A_1019 : vector<256x256xf32>
    %jit3A_1050 = arith.constant 30 : i32
    %broadcast_in_dim3A_1051 = vector.broadcast %jit3A_1050 : i32 to vector<256x256xi32>
    %select_n3A_1052 = arith.select %lt3A_1049, %broadcast_in_dim3A_1051, %select_n3A_1018 : vector<256x256xi1>, vector<256x256xi32>
    %min3A_1053 = arith.minimumf %min3A_1019, %select_n3A_1048 : vector<256x256xf32>
    %get3A_1054 = arith.constant 7936 : index
    %get3A_1055 = arith.constant 0 : index
    %get3A_1056 = vector.load %arg4[%get3A_1054, %get3A_1055] : memref<8192x256xf32, #tpu.memory_space<vmem>>, vector<256x256xf32>
    %get3A_1057 = arith.constant 0 : index
    %get3A_1058 = arith.constant 0 : index
    %get3A_1059 = arith.constant 7936 : index
    %get3A_1060 = vector.load %arg2[%get3A_1057, %get3A_1058, %get3A_1059] : memref<1x1x8192xf32, #tpu.memory_space<vmem>>, vector<1x1x256xf32>
    %get3A_1061 = vector.shape_cast %get3A_1060 : vector<1x1x256xf32> to vector<256xf32>
    %broadcast_in_dim3A_1062 = vector.shape_cast %get3A_1061 : vector<256xf32> to vector<1x256xf32>
    %dot_general3A_1063 = arith.constant dense<0.000000e+00> : vector<256x256xf32>
    %dot_general3A_1064 = tpu.matmul %get3A_1, %get3A_1056, %dot_general3A_1063 {dimension_numbers = #tpu.dot_dimension_numbers<[1], [1], [0], [0], [0, 0, 1, 0], [], []>, transpose_lhs_hint = false} : vector<256x256xf32>, vector<256x256xf32>, vector<256x256xf32> -> vector<256x256xf32>
    %add3A_1065 = vector.broadcast %broadcast_in_dim3A : vector<256x1xf32> to vector<256x256xf32>
    %add3A_1066 = vector.broadcast %broadcast_in_dim3A_1062 : vector<1x256xf32> to vector<256x256xf32>
    %add3A_1067 = arith.addf %add3A_1065, %add3A_1066 : vector<256x256xf32>
    %mul3A_1068 = arith.constant 2.000000e+00 : f32
    %mul3A_1069 = vector.broadcast %mul3A_1068 : f32 to vector<256x256xf32>
    %mul3A_1070 = arith.mulf %mul3A_1069, %dot_general3A_1064 : vector<256x256xf32>
    %sub3A_1071 = arith.subf %add3A_1067, %mul3A_1070 : vector<256x256xf32>
    %max3A_1072 = arith.constant 0.000000e+00 : f32
    %max3A_1073 = vector.broadcast %max3A_1072 : f32 to vector<256x256xf32>
    %max3A_1074 = arith.maximumf %sub3A_1071, %max3A_1073 : vector<256x256xf32>
    %rsqrt3A_1075 = math.rsqrt %max3A_1074 : vector<256x256xf32>
    %mul3A_1076 = arith.mulf %max3A_1074, %rsqrt3A_1075 : vector<256x256xf32>
    %eq3A_1077 = arith.constant 0.000000e+00 : f32
    %eq3A_1078 = vector.broadcast %eq3A_1077 : f32 to vector<256x256xf32>
    %eq3A_1079 = arith.cmpf oeq, %max3A_1074, %eq3A_1078 : vector<256x256xf32>
    %jit3A_1080 = arith.constant 0.000000e+00 : f32
    %broadcast_in_dim3A_1081 = vector.broadcast %jit3A_1080 : f32 to vector<256x256xf32>
    %select_n3A_1082 = arith.select %eq3A_1079, %broadcast_in_dim3A_1081, %mul3A_1076 : vector<256x256xi1>, vector<256x256xf32>
    %lt3A_1083 = arith.cmpf olt, %select_n3A_1082, %min3A_1053 : vector<256x256xf32>
    %jit3A_1084 = arith.constant 31 : i32
    %broadcast_in_dim3A_1085 = vector.broadcast %jit3A_1084 : i32 to vector<256x256xi32>
    %select_n3A_1086 = arith.select %lt3A_1083, %broadcast_in_dim3A_1085, %select_n3A_1052 : vector<256x256xi1>, vector<256x256xi32>
    %min3A_1087 = arith.minimumf %min3A_1053, %select_n3A_1082 : vector<256x256xf32>
    %iota3A = tpu.iota {dimensions = array<i32: 1>} : vector<256x256xi32>
    %mul3A_1088 = arith.constant 256 : i32
    %mul3A_1089 = vector.broadcast %mul3A_1088 : i32 to vector<256x256xi32>
    %mul3A_1090 = arith.muli %select_n3A_1086, %mul3A_1089 : vector<256x256xi32>
    %add3A_1091 = arith.addi %mul3A_1090, %iota3A : vector<256x256xi32>
    %reduce_min3A = arith.constant dense<0x7F800000> : vector<256xf32>
    %reduce_min3A_1092 = vector.multi_reduction <minimumf>, %min3A_1087, %reduce_min3A [1] : vector<256x256xf32> to vector<256xf32>
    %broadcast_in_dim3A_1093 = vector.shape_cast %reduce_min3A_1092 : vector<256xf32> to vector<256x1xf32>
    %eq3A_1094 = vector.broadcast %broadcast_in_dim3A_1093 : vector<256x1xf32> to vector<256x256xf32>
    %eq3A_1095 = arith.cmpf oeq, %min3A_1087, %eq3A_1094 : vector<256x256xf32>
    %jit3A_1096 = arith.constant 8192 : i32
    %broadcast_in_dim3A_1097 = vector.broadcast %jit3A_1096 : i32 to vector<256x256xi32>
    %select_n3A_1098 = arith.select %eq3A_1095, %add3A_1091, %broadcast_in_dim3A_1097 : vector<256x256xi1>, vector<256x256xi32>
    %reduce_min3A_1099 = arith.constant dense<2147483647> : vector<256xi32>
    %reduce_min3A_1100 = vector.multi_reduction <minsi>, %select_n3A_1098, %reduce_min3A_1099 [1] : vector<256x256xi32> to vector<256xi32>
    %broadcast_in_dim3A_1101 = vector.shape_cast %reduce_min3A_1100 : vector<256xi32> to vector<256x1xi32>
    %squeeze3A = vector.shape_cast %broadcast_in_dim3A_1101 : vector<256x1xi32> to vector<256xi32>
    %swap3A = arith.constant 0 : index
    %swap3A_1102 = arith.constant 0 : index
    %swap3A_1103 = arith.constant 0 : index
    %swap3A_1104 = vector.load %arg5[%swap3A, %swap3A_1102, %swap3A_1103] : memref<1x1x256xi32, #tpu.memory_space<vmem>>, vector<1x1x256xi32>
    %swap3A_1105 = vector.shape_cast %swap3A_1104 : vector<1x1x256xi32> to vector<256xi32>
    %swap3A_1106 = vector.shape_cast %squeeze3A : vector<256xi32> to vector<1x1x256xi32>
    tpu.vector_store %arg5[%swap3A, %swap3A_1102, %swap3A_1103], %swap3A_1106 {strides = array<i32>} : memref<1x1x256xi32, #tpu.memory_space<vmem>>, vector<1x1x256xi32>,
    %mul3A_1107 = arith.mulf %broadcast_in_dim3A_1093, %broadcast_in_dim3A_1093 : vector<256x1xf32>
    %squeeze3A_1108 = vector.shape_cast %mul3A_1107 : vector<256x1xf32> to vector<256xf32>
    %swap3A_1109 = arith.constant 0 : index
    %swap3A_1110 = arith.constant 0 : index
    %swap3A_1111 = arith.constant 0 : index
    %swap3A_1112 = vector.load %arg6[%swap3A_1109, %swap3A_1110, %swap3A_1111] : memref<1x1x256xf32, #tpu.memory_space<vmem>>, vector<1x1x256xf32>
    %swap3A_1113 = vector.shape_cast %swap3A_1112 : vector<1x1x256xf32> to vector<256xf32>
    %swap3A_1114 = vector.shape_cast %squeeze3A_1108 : vector<256xf32> to vector<1x1x256xf32>
    tpu.vector_store %arg6[%swap3A_1109, %swap3A_1110, %swap3A_1111], %swap3A_1114 {strides = array<i32>} : memref<1x1x256xf32, #tpu.memory_space<vmem>>, vector<1x1x256xf32>,
    return
  }
  func.func @transform_0(%arg0: i32) -> (i32, i32, i32) {
    %c0_i32 = arith.constant 0 : i32
    %c0_i32_0 = arith.constant 0 : i32
    %c0_i32_1 = arith.constant 0 : i32
    return %arg0, %c0_i32, %c0_i32_0 : i32, i32, i32
  }
  func.func @transform_1(%arg0: i32) -> (i32, i32, i32) {
    %c0_i32 = arith.constant 0 : i32
    %c0_i32_0 = arith.constant 0 : i32
    %c0_i32_1 = arith.constant 0 : i32
    %c0_i32_2 = arith.constant 0 : i32
    return %c0_i32, %c0_i32_0, %c0_i32_1 : i32, i32, i32
  }
  func.func @transform_2(%arg0: i32) -> (i32, i32) {
    %c0_i32 = arith.constant 0 : i32
    %c0_i32_0 = arith.constant 0 : i32
    return %arg0, %c0_i32 : i32, i32
  }
  func.func @transform_3(%arg0: i32) -> (i32, i32) {
    %c0_i32 = arith.constant 0 : i32
    %c0_i32_0 = arith.constant 0 : i32
    %c0_i32_1 = arith.constant 0 : i32
    return %c0_i32, %c0_i32_0 : i32, i32
  }
  func.func @transform_4(%arg0: i32) -> (i32, i32, i32) {
    %c0_i32 = arith.constant 0 : i32
    %c0_i32_0 = arith.constant 0 : i32
    %c0_i32_1 = arith.constant 0 : i32
    return %arg0, %c0_i32, %c0_i32_0 : i32, i32, i32
  }
  func.func @transform_5(%arg0: i32) -> (i32, i32, i32) {
    %c0_i32 = arith.constant 0 : i32
    %c0_i32_0 = arith.constant 0 : i32
    %c0_i32_1 = arith.constant 0 : i32
    return %arg0, %c0_i32, %c0_i32_0 : i32, i32, i32
  }
}

</mosaic_0001>

<sc_bundles>
// kernel: kernel.4.cloned.1.call-start
scs
__scs_entry_jumppad:
0x0: {  	(pc) =	sbr.rel $0x88, $3  }
0x1: {  	(tag) =	ssettag $0x0;
	lr =	simm.s32 $0x1  }
0x2: {  	[smem:$0x3F9F] =	sst lr;
	_ =	strace $0xD0000000  }
0x3: {  	_ = 	snop  }
0x4: {  	_ = 	snop  }
0x5: {  	_ = 	snop  }
0x6: {  	_ = 	snop  }
0x7: {  	_ = 	snop  }
__scs_overlays_trampoline_lowered:
0x8: {  	[smem:$0x3FAE] =	sst s0  }
0x9: {  	[smem:$0x3FAF] =	sst s1  }
0xa: {  	[smem:$0x3FB0] =	sst s2  }
0xb: {  	[smem:$0x3FB1] =	sst s3  }
0xc: {  	[smem:$0x3FB2] =	sst s4  }
0xd: {  	[smem:$0x3FB3] =	sst s5  }
0xe: {  	[smem:$0x3FB4] =	sst s6  }
0xf: {  	[smem:$0x3FB5] =	sst s7  }
0x10: {  	[smem:$0x3FB6] =	sst s8  }
0x11: {  	[smem:$0x3FB7] =	sst s9;
	s0 =	simm.s32 @!p0 $0x0  }
0x12: {  	s1 =	sld [smem:$0x3F9D];
	s0 =	simm.s32 @p0 $0x1  }
0x13: {  	[smem:$0x3FB8] =	sst s0;
	s0 =	simm.s32 @!p1 $0x0  }
0x14: {  	s2 =	sld [smem:$0x3F9C];
	s0 =	simm.s32 @p1 $0x1  }
0x15: {  	[smem:$0x3FB9] =	sst s0;
	s0 =	simm.s32 @!p2 $0x0  }
0x16: {  	s3 =	sld [smem:$0x3FDB];
	s0 =	simm.s32 @p2 $0x1  }
0x17: {  	s4 =	simm.s32 $0x1BF5;
	[smem:$0x3FBB] =	sst s0  }
0x18: {  	s0 =	sld [smem:$0x3F9E];
	_ =	swait.ge [sflag:s4], $0x0  }
0x19: {  	s7 =	sld [smem:$0x3F9F]  }
0x1a: {  	s8 =	sadd.s32 $0xFFFFE003, lr  }
0x1b: {  	s9 =	sadd.s32 $0xFFFFFEF7, lr;
	s5 =	simm.s32 $0xFFFFFFFF;
	p2 =	slt.u32 s8, $0xFFFFF086  }
0x1c: {  	p1 =	slt.u32 s9, $0xF7A;
	s5 =	simm.s32 @!p2 $0x0  }
0x1d: {  	s5 =	simm.s32 @p1 $0x1;
	p0 =	seq.s32 s7, s2  }
0x1e: {  	s7 =	smul.u32 @!p0 $0xF7A, s2;
	p2 =	seq.s32 @!p0 s5, $0x0  }
0x1f: {  	s9 =	smul.u32 $0xF7A, s1;
	s8 =	simm.s32 @!p0 $0x1BF5;
	p2 =	por !p2, p0  }
0x20: {  	[sflag:s8] =	ssyncset.s32 @!p0 $0xFFFFF086;
	s6 =	sadd.s32 @!p0 s3, s7;
	s7 =	simm.s32 @!p0 $0x108  }
0x21: {  	s3 =	sadd.s32 s3, s9;
	s6 =	sadd.s32 @!p0 $0x88, s6;
	s7 =	simm.s32 @p2 $0x1082  }
0x22: {  	[simem:s7], [sflag:s8] =	dma.local @!p0 [hbm:s6], $0xF7A  }
0x23: {  	s9 =	sor.u32 $0xD0000000, s2;
	s6 =	simm.s32 $0x108;
	_ =	swait.ge @!p0 [sflag:s8], $0x0  }
0x24: {  	s3 =	sadd.s32 $0x88, s3;
	s6 =	simm.s32 @!p1 $0x1082;
	[sflag:s4] =	ssyncset.s32 $0xFFFFF086  }
0x25: {  	[simem:s6], [sflag:s4] =	dma.local [hbm:s3], $0xF7A  }
0x26: {  	[smem:$0x3F9F] =	sst s1;
	(tag) =	ssettag s2;
	_ =	strace s9  }
0x27: {  	s1 =	sld [smem:$0x3FAF]  }
0x28: {  	s2 =	sld [smem:$0x3FB0]  }
0x29: {  	s4 =	sld [smem:$0x3FB2]  }
0x2a: {  	p0 =	seq.s32 s5, $0x0;
	s5 =	sld [smem:$0x3FB3]  }
0x2b: {  	s6 =	sld [smem:$0x3FB4]  }
0x2c: {  	s7 =	sld [smem:$0x3FB5]  }
0x2d: {  	s3 =	simm.s32 $0x108;
	s8 =	sld [smem:$0x3FB6]  }
0x2e: {  	s3 =	simm.s32 @!p0 $0x1082;
	s9 =	sld [smem:$0x3FB7]  }
0x2f: {  	lr =	sadd.s32 s0, s3;
	s0 =	sld [smem:$0x3FAE]  }
0x30: {  	s3 =	sld [smem:$0x3FB1]  }
0x31: {  	[smem:$0x3FBA] =	sst s10  }
0x32: {  	s10 =	sld [smem:$0x3FB8];
	_ =	sdelay $0x3  }
0x33: {  	p0 =	seq.s32 s10, $0x1;
	s10 =	sld [smem:$0x3FBA];
	_ =	sdelay $0x3  }
0x34: {  	[smem:$0x3FBA] =	sst s10  }
0x35: {  	s10 =	sld [smem:$0x3FB9];
	_ =	sdelay $0x3  }
0x36: {  	p1 =	seq.s32 s10, $0x1;
	s10 =	sld [smem:$0x3FBA];
	_ =	sdelay $0x3  }
0x37: {  	[smem:$0x3FBA] =	sst s10  }
0x38: {  	s10 =	sld [smem:$0x3FBB]  }
0x39: {  	_ = 	snop;
	(pc) =	sbr.ind lr, $3  }
0x3a: {  	_ = 	snop  }
0x3b: {  	_ = 	snop  }
0x3c: {  	p2 =	seq.s32 s10, $0x1;
	s10 =	sld [smem:$0x3FBA]  }
0x3d: {  	_ =	shalt  }
0x3e: {  	_ =	shalt  }
0x3f: {  	_ =	shalt  }
0x40: {  	_ =	shalt  }
0x41: {  	_ =	shalt  }
0x42: {  	_ =	shalt  }
0x43: {  	_ =	shalt  }
0x44: {  	_ =	shalt  }
0x45: {  	_ =	shalt  }
0x46: {  	_ =	shalt  }
0x47: {  	_ =	shalt  }
0x48: {  	_ =	shalt  }
0x49: {  	_ =	shalt  }
0x4a: {  	_ =	shalt  }
0x4b: {  	_ =	shalt  }
0x4c: {  	_ =	shalt  }
0x4d: {  	_ =	shalt  }
0x4e: {  	_ =	shalt  }
0x4f: {  	_ =	shalt  }
0x50: {  	_ =	shalt  }
0x51: {  	_ =	shalt  }
0x52: {  	_ =	shalt  }
0x53: {  	_ =	shalt  }
0x54: {  	_ =	shalt  }
0x55: {  	_ =	shalt  }
0x56: {  	_ =	shalt  }
0x57: {  	_ =	shalt  }
0x58: {  	_ =	shalt  }
0x59: {  	_ =	shalt  }
0x5a: {  	_ =	shalt  }
0x5b: {  	_ =	shalt  }
0x5c: {  	_ =	shalt  }
0x5d: {  	_ =	shalt  }
0x5e: {  	_ =	shalt  }
0x5f: {  	_ =	shalt  }
0x60: {  	_ =	shalt  }
0x61: {  	_ =	shalt  }
0x62: {  	_ =	shalt  }
0x63: {  	_ =	shalt  }
0x64: {  	_ =	shalt  }
0x65: {  	_ =	shalt  }
0x66: {  	_ =	shalt  }
0x67: {  	_ =	shalt  }
0x68: {  	_ =	shalt  }
0x69: {  	_ =	shalt  }
0x6a: {  	_ =	shalt  }
0x6b: {  	_ =	shalt  }
0x6c: {  	_ =	shalt  }
0x6d: {  	_ =	shalt  }
0x6e: {  	_ =	shalt  }
0x6f: {  	_ =	shalt  }
0x70: {  	_ =	shalt  }
0x71: {  	_ =	shalt  }
0x72: {  	_ =	shalt  }
0x73: {  	_ =	shalt  }
0x74: {  	_ =	shalt  }
0x75: {  	_ =	shalt  }
0x76: {  	_ =	shalt  }
0x77: {  	_ =	shalt  }
0x78: {  	_ =	shalt  }
0x79: {  	_ =	shalt  }
0x7a: {  	_ =	shalt  }
0x7b: {  	_ =	shalt  }
0x7c: {  	_ =	shalt  }
0x7d: {  	_ =	shalt  }
0x7e: {  	_ =	shalt  }
0x7f: {  	_ =	shalt  }
0x80: {  	_ =	shalt  }
0x81: {  	_ =	shalt  }
0x82: {  	_ =	shalt  }
0x83: {  	_ =	shalt  }
0x84: {  	_ =	shalt  }
0x85: {  	_ =	shalt  }
0x86: {  	_ =	shalt  }
0x87: {  	_ =	shalt  }
.Lfunc_end0:
.L_simem_size_0:
called_computation_lowered:
.L_overlay_start_0:
0x88: {  	s2 =	sld [smem:$0x3FD9]  }
0x89: {  	s3 =	sld [smem:$0x3FFE];
	_ =	sdelay $0x1  }
0x8a: {  	s1 =	srdreg.scid  }
0x8b: {  	s0 =	sand.u32 $0x1, s1  }
0x8c: {  	s14 =	sshll.u32 s0, $0xA;
	s2 =	sadd.s32 s3, s2  }
0x8d: {  	s2 =	sadd.s32 s2, s14  }
0x8e: {  	[smem:$0x3FC6] =	sst s2  }
0x8f: {  	_ = 	snop  }
0x90: {  	s2 =	sld [smem:$0x3FD0];
	_ =	sdelay $0x2  }
0x91: {  	s4 =	simm.s32 $0xA;
	s5 =	simm.s32 $0x10;
	s15 =	sld [smem:$0x3FC8]  }
0x92: {  	[smem:s5], [sflag:s4] =	dma.local [hbm:s2], $0x1  }
0x93: {  	_ =	swait.eq [sflag:s4], $0x1  }
0x94: {  	[sflag:s4] =	ssyncset.done $0x0  }
0x95: {  	[sflag:s4] =	ssyncadd.s32 $0xFFFFFFFF  }
0x96: {  	s16 =	sld [smem:$0x10];
	(tm) =	ssettm $0x1  }
0x97: {  	s17 =	sld [smem:$0x3FFB];
	_ =	sdelay $0x3  }
0x98: {  	_ =	strace s17  }
0x99: {  	s4 =	sld [smem:$0x3FFC];
	_ =	sdelay $0x3  }
0x9a: {  	_ =	strace s4  }
0x9b: {  	s4 =	sld [smem:$0x3FFD];
	_ =	sdelay $0x3  }
0x9c: {  	_ =	strace s4  }
0x9d: {  	_ =	strace $0x8FFFFFFF  }
0x9e: {  	s18 =	sld [smem:$0x3FDB];
	_ =	sdelay $0x1  }
0x9f: {  	s19 =	simm.s32 $_scs_section_size  }
0xa0: {  	s6 =	simm.s32 $_size__tile_overlayer_lowered;
	s7 =	simm.s32 $_tile_overlayer_lowered  }
0xa1: {  	s22 =	simm.s32 $0x1BFF;
	s21 =	sshll.u32 s7, $0x1;
	s4 =	sadd.s32 s19, s18  }
0xa2: {  	s8 =	simm.s32 $0x0;
	s20 =	sshll.u32 s6, $0x1;
	s6 =	sadd.s32 s21, s4  }
0xa3: {  	[timem:s8], [sflag:s22] =	dma.local [hbm:s6], s20  }
0xa4: {  	_ =	swait.ge [sflag:s22], s20  }
0xa5: {  	s5 =	ssub.s32 $0x0, s20;
	[sflag:s22] =	ssyncset.done $0x0  }
0xa6: {  	[sflag:s22] =	ssyncadd.s32 s5;
	_ =	sdelay $0x1  }
0xa7: {  	s23 =	simm.s32 $0x1B8B  }
0xa8: {  	_ =	swait.ge [sflag:s23], $0x1  }
0xa9: {  	[sflag:s23] =	ssyncset.done $0x0  }
0xaa: {  	s25 =	simm.s32 $0x1B8E;
	s24 =	sld [smem:$0x3FFE];
	[sflag:s23] =	ssyncadd.s32 $0xFFFFFFFF  }
0xab: {  	s26 =	simm.s32 $execute0_lowered;
	[smem:$0x3FD2] =	sst s25  }
0xac: {  	s6 =	sshll.u32 s26, $0x1;
	_ =	strace $0x80000046;
	[dreg:$0x1] =	wrdreg $0xFFFFFFFF  }
0xad: {  	s28 =	simm.s32 $_size_execute0_lowered;
	s4 =	sadd.s32 s4, s6;
	[dreg:$0x0] =	wrdreg $0x0  }
0xae: {  	s6 =	sshll.u32 s28, $0x1;
	[dreg:$0x2] =	wrdreg s4  }
0xaf: {  	[dreg:$0x3] =	wrdreg s6  }
0xb0: {  	[dreg:$0x4] =	wrdreg $0xC0  }
0xb1: {  	_ =	task [dreg:s8], $0x5FFFF  }
0xb2: {  	[dreg:$0x1] =	wrdreg $0xFFFFFFFF  }
0xb3: {  	[dreg:$0x0] =	wrdreg $0x60  }
0xb4: {  	[dreg:$0x2] =	wrdreg s15  }
0xb5: {  	[dreg:$0x3] =	wrdreg s24  }
0xb6: {  	[dreg:$0x4] =	wrdreg s16  }
0xb7: {  	[dreg:$0x5] =	wrdreg $0x9  }
0xb8: {  	_ =	task.clear_ibuf [dreg:s8], $0x6FFFF;
	_ =	strace $0x90000046  }
0xb9: {  	s29 =	simm.s32 $0x9;
	_ =	strace $0x80000048  }
0xba: {  	_ =	swait.ge [sflag:s29], $0x1  }
0xbb: {  	[sflag:s29] =	ssyncadd.s32 $0xFFFFFFFF  }
0xbc: {  	_ =	strace $0x90000048  }
0xbd: {  	_ =	sfence  }
0xbe: {  	s30 =	sld [smem:$0x0];
	_ =	sdelay $0x2  }
0xbf: {  	s31 =	sshll.u32 s1, $0xD;
	s1 =	sshrl.u32 s1, $0x2  }
0xc0: {  	s3 =	sand.u32 $0x4000, s31;
	s1 =	sadd.s32 s1, s30  }
0xc1: {  	s0 =	sor.u32 s3, s0;
	s1 =	sshll.u32 s1, $0x11  }
0xc2: {  	s0 =	sor.u32 s1, s0  }
0xc3: {  	s0 =	sadd.s32 $0x8F2B, s0  }
0xc4: {  	[sflag:s0] =	ssyncadd.remote.s32 $0x1  }
0xc5: {  	_ =	sfence.sel $0xFFFF  }
0xc6: {  	[dreg:$0x0] =	wrdreg $0xFFFFFFFF;
	(pc) =	sbr.abs _section_cstart, $3  }
0xc7: {  	[dreg:$0x1] =	wrdreg $0xFFFFFFFF  }
0xc8: {  	_ =	task.clear_ibuf [dreg:s8], $0x2FFFF;
	_ =	strace $0x9FFFFFFF  }
0xc9: {  	(tm) =	ssettm $0x7FFFFFFF  }
tec
execute0_lowered:
.L_overlay_start_1:
0x0: {  	(tag) =	ssettag $0x1  }
0x1: {  	s1 =	rddreg [dreg:$0x0]  }
0x2: {  	s4 =	rddreg [dreg:$0x1]  }
0x3: {  	s5 =	rddreg [dreg:$0x2]  }
0x4: {  	s0 =	rddreg [dreg:$0x3];
	s3 =	simm.s32 $0x0;
	s6 =	srdreg.scid  }
0x5: {  	s2 =	stileid.u32;
	s10 =	simm.s32 $0x1080;
	s11 =	simm.s32 $0x1880  }
0x6: {  	s12 =	simm.s32 $0x2080;
	s13 =	simm.s32 $0x2880;
	s14 =	simm.s32 $0x3080  }
0x7: {  	s15 =	simm.s32 $0x3880;
	s16 =	simm.s32 $0x4080;
	s17 =	simm.s32 $0x4880  }
0x8: {  	s18 =	simm.s32 $0x5080;
	s19 =	simm.s32 $0x5880;
	s20 =	simm.s32 $0x6080  }
0x9: {  	s21 =	simm.s32 $0x6880;
	s22 =	simm.s32 $0x7080;
	s23 =	simm.s32 $0x7880  }
0xa: {  	s24 =	simm.s32 $0x1;
	[smem:$0x7FF] =	sst s3;
	s6 =	sand.u32 $0x1, s6  }
0xb: {  	s8 =	sshll.u32 s2, $0x8;
	s7 =	ssub.s32 $0x2, s6;
	s6 =	sshll.u32 s6, $0x7  }
0xc: {  	_ =	strace $0x80000047;
	s9 =	sshrl.u32 s7, $0x1;
	s6 =	sor.u32 s6, s8  }
0xd: {  	v2 =	vlaneseq.u32;
	s7 =	ssub.s32 s7, s9;
	s8 =	sshrl.u32 s6, $0x3;
	s6 =	sshll.u32 s6, $0x5  }
0xe: {  	vm0 =	vmmov $0xffff;
	v1 =	vshrl.u32 v2, $0x3;
	s9 =	simm.s32 $0x880;
	s4 =	sadd.s32 s4, s8;
	s5 =	sadd.s32 s5, s6  }
0xf: {  	v0 =	vand.u32 $0x7, v2;
	v2 =	vor.u32 $0x8, v2;
	v1 =	vmul.u32 $0x8, v1;
	s6 =	smax.u32 s7, $0x1;
	s7 =	simm.s32 $0x2;
	s8 =	simm.s32 $0x80  }
.LBB2_1:
0x10: {  	[tilespmem:s3], [sflag:$0x2] =	stream.linear.gather [hbm4b:s4+s3], $0x80, $0x38;
	[tilespmem:$0x8080] =	vst v63  }
0x11: {  	_ =	swait.ge [sflag:s7], $0x80  }
0x12: {  	[sflag:s7] =	ssyncset.done $0x0  }
0x13: {  	[sflag:s7] =	ssyncadd.s32 $0xFFFFFF80  }
0x14: {  	v3 =	vld [tilespmem:$0x0];
	_ =	sdelay $0x4  }
0x15: {  	v4 =	vshll.u32 v3, $0x1  }
0x16: {  	v3 =	vand.u32 $0x7, v3;
	v4 =	vand.u32 $0xFFFFFFF0, v4  }
0x17: {  	v3 =	vor.u32 v3, v4  }
0x18: {  	v4 =	vperm.xlane v3, v0;
	_ =	sdelay $0x1  }
0x19: {  	v3 =	vperm.xlane v3, v2;
	v4 =	vadd.s32 v1, v4;
	_ =	sdelay $0x1  }
0x1a: {  	v3 =	vadd.s32 v1, v3;
	_ =	sdelay $0x2  }
0x1b: {  	[tilespmem:s8], [sflag:$0x1] =	stream.indirect_vreg.gather [hbm4b:s1+s3], $0x80, v4, vm0, $0xb8;
	[tilespmem:$0x8080] =	vst v63  }
0x1c: {  	_ = 	snop  }
0x1d: {  	[tilespmem:s9], [sflag:$0x1] =	stream.indirect_vreg.gather [hbm4b:s1+s3], $0x80, v3, vm0, $0xb8;
	[tilespmem:$0x8080] =	vst v63  }
0x1e: {  	v3 =	vld [tilespmem:$0x10];
	_ =	sdelay $0x4  }
0x1f: {  	v57 =	vshll.u32 v3, $0x1  }
0x20: {  	v3 =	vand.u32 $0x7, v3;
	v4 =	vand.u32 $0xFFFFFFF0, v57  }
0x21: {  	v3 =	vor.u32 v3, v4  }
0x22: {  	v4 =	vperm.xlane v3, v0;
	_ =	sdelay $0x1  }
0x23: {  	v3 =	vperm.xlane v3, v2;
	v4 =	vadd.s32 v1, v4;
	_ =	sdelay $0x1  }
0x24: {  	v3 =	vadd.s32 v1, v3;
	_ =	sdelay $0x2  }
0x25: {  	[tilespmem:s10], [sflag:$0x1] =	stream.indirect_vreg.gather [hbm4b:s1+s3], $0x80, v4, vm0, $0xb8;
	[tilespmem:$0x8080] =	vst v63  }
0x26: {  	_ = 	snop  }
0x27: {  	[tilespmem:s11], [sflag:$0x1] =	stream.indirect_vreg.gather [hbm4b:s1+s3], $0x80, v3, vm0, $0xb8;
	[tilespmem:$0x8080] =	vst v63  }
0x28: {  	v3 =	vld [tilespmem:$0x20];
	_ =	sdelay $0x4  }
0x29: {  	v58 =	vshll.u32 v3, $0x1  }
0x2a: {  	v3 =	vand.u32 $0x7, v3;
	v4 =	vand.u32 $0xFFFFFFF0, v58  }
0x2b: {  	v3 =	vor.u32 v3, v4  }
0x2c: {  	v4 =	vperm.xlane v3, v0;
	_ =	sdelay $0x1  }
0x2d: {  	v3 =	vperm.xlane v3, v2;
	v4 =	vadd.s32 v1, v4;
	_ =	sdelay $0x1  }
0x2e: {  	v3 =	vadd.s32 v1, v3;
	_ =	sdelay $0x2  }
0x2f: {  	[tilespmem:s12], [sflag:$0x1] =	stream.indirect_vreg.gather [hbm4b:s1+s3], $0x80, v4, vm0, $0xb8;
	[tilespmem:$0x8080] =	vst v63  }
0x30: {  	_ = 	snop  }
0x31: {  	[tilespmem:s13], [sflag:$0x1] =	stream.indirect_vreg.gather [hbm4b:s1+s3], $0x80, v3, vm0, $0xb8;
	[tilespmem:$0x8080] =	vst v63  }
0x32: {  	v3 =	vld [tilespmem:$0x30];
	_ =	sdelay $0x4  }
0x33: {  	v59 =	vshll.u32 v3, $0x1  }
0x34: {  	v3 =	vand.u32 $0x7, v3;
	v4 =	vand.u32 $0xFFFFFFF0, v59  }
0x35: {  	v3 =	vor.u32 v3, v4  }
0x36: {  	v4 =	vperm.xlane v3, v0;
	_ =	sdelay $0x1  }
0x37: {  	v3 =	vperm.xlane v3, v2;
	v4 =	vadd.s32 v1, v4;
	_ =	sdelay $0x1  }
0x38: {  	v3 =	vadd.s32 v1, v3;
	_ =	sdelay $0x2  }
0x39: {  	[tilespmem:s14], [sflag:$0x1] =	stream.indirect_vreg.gather [hbm4b:s1+s3], $0x80, v4, vm0, $0xb8;
	[tilespmem:$0x8080] =	vst v63  }
0x3a: {  	_ = 	snop  }
0x3b: {  	[tilespmem:s15], [sflag:$0x1] =	stream.indirect_vreg.gather [hbm4b:s1+s3], $0x80, v3, vm0, $0xb8;
	[tilespmem:$0x8080] =	vst v63  }
0x3c: {  	v3 =	vld [tilespmem:$0x40];
	_ =	sdelay $0x4  }
0x3d: {  	v60 =	vshll.u32 v3, $0x1  }
0x3e: {  	v3 =	vand.u32 $0x7, v3;
	v4 =	vand.u32 $0xFFFFFFF0, v60  }
0x3f: {  	v3 =	vor.u32 v3, v4  }
0x40: {  	v4 =	vperm.xlane v3, v0;
	_ =	sdelay $0x1  }
0x41: {  	v3 =	vperm.xlane v3, v2;
	v4 =	vadd.s32 v1, v4;
	_ =	sdelay $0x1  }
0x42: {  	v3 =	vadd.s32 v1, v3;
	_ =	sdelay $0x2  }
0x43: {  	[tilespmem:s16], [sflag:$0x1] =	stream.indirect_vreg.gather [hbm4b:s1+s3], $0x80, v4, vm0, $0xb8;
	[tilespmem:$0x8080] =	vst v63  }
0x44: {  	_ = 	snop  }
0x45: {  	[tilespmem:s17], [sflag:$0x1] =	stream.indirect_vreg.gather [hbm4b:s1+s3], $0x80, v3, vm0, $0xb8;
	[tilespmem:$0x8080] =	vst v63  }
0x46: {  	v3 =	vld [tilespmem:$0x50];
	_ =	sdelay $0x4  }
0x47: {  	v61 =	vshll.u32 v3, $0x1  }
0x48: {  	v3 =	vand.u32 $0x7, v3;
	v4 =	vand.u32 $0xFFFFFFF0, v61  }
0x49: {  	v3 =	vor.u32 v3, v4  }
0x4a: {  	v4 =	vperm.xlane v3, v0;
	_ =	sdelay $0x1  }
0x4b: {  	v3 =	vperm.xlane v3, v2;
	v4 =	vadd.s32 v1, v4;
	_ =	sdelay $0x1  }
0x4c: {  	v3 =	vadd.s32 v1, v3;
	_ =	sdelay $0x2  }
0x4d: {  	[tilespmem:s18], [sflag:$0x1] =	stream.indirect_vreg.gather [hbm4b:s1+s3], $0x80, v4, vm0, $0xb8;
	[tilespmem:$0x8080] =	vst v63  }
0x4e: {  	_ = 	snop  }
0x4f: {  	[tilespmem:s19], [sflag:$0x1] =	stream.indirect_vreg.gather [hbm4b:s1+s3], $0x80, v3, vm0, $0xb8;
	[tilespmem:$0x8080] =	vst v63  }
0x50: {  	v3 =	vld [tilespmem:$0x60];
	_ =	sdelay $0x4  }
0x51: {  	v62 =	vshll.u32 v3, $0x1  }
0x52: {  	v3 =	vand.u32 $0x7, v3;
	v4 =	vand.u32 $0xFFFFFFF0, v62  }
0x53: {  	v3 =	vor.u32 v3, v4  }
0x54: {  	v4 =	vperm.xlane v3, v0;
	_ =	sdelay $0x1  }
0x55: {  	v3 =	vperm.xlane v3, v2;
	v4 =	vadd.s32 v1, v4;
	_ =	sdelay $0x1  }
0x56: {  	v3 =	vadd.s32 v1, v3;
	_ =	sdelay $0x2  }
0x57: {  	[tilespmem:s20], [sflag:$0x1] =	stream.indirect_vreg.gather [hbm4b:s1+s3], $0x80, v4, vm0, $0xb8;
	[tilespmem:$0x8080] =	vst v63  }
0x58: {  	_ = 	snop  }
0x59: {  	[tilespmem:s21], [sflag:$0x1] =	stream.indirect_vreg.gather [hbm4b:s1+s3], $0x80, v3, vm0, $0xb8;
	[tilespmem:$0x8080] =	vst v63  }
0x5a: {  	v3 =	vld [tilespmem:$0x70];
	_ =	sdelay $0x4  }
0x5b: {  	v63 =	vshll.u32 v3, $0x1  }
0x5c: {  	v3 =	vand.u32 $0x7, v3;
	v4 =	vand.u32 $0xFFFFFFF0, v63  }
0x5d: {  	v3 =	vor.u32 v3, v4  }
0x5e: {  	v4 =	vperm.xlane v3, v0;
	_ =	sdelay $0x1  }
0x5f: {  	v3 =	vperm.xlane v3, v2;
	v4 =	vadd.s32 v1, v4;
	_ =	sdelay $0x1  }
0x60: {  	v3 =	vadd.s32 v1, v3;
	_ =	sdelay $0x2  }
0x61: {  	[tilespmem:s22], [sflag:$0x1] =	stream.indirect_vreg.gather [hbm4b:s1+s3], $0x80, v4, vm0, $0xb8;
	[tilespmem:$0x8080] =	vst v63  }
0x62: {  	_ = 	snop  }
0x63: {  	[tilespmem:s23], [sflag:$0x1] =	stream.indirect_vreg.gather [hbm4b:s1+s3], $0x80, v3, vm0, $0xb8;
	[tilespmem:$0x8080] =	vst v63  }
0x64: {  	_ =	swait.ge [sflag:s24], $0x8000  }
0x65: {  	p0 =	sne.s32 s6, $0x1;
	[sflag:s24] =	ssyncset.done $0x0  }
.Ltmp0:
0x66: {  	[sflag:s24] =	ssyncadd.s32 $0xFFFF8000;
	(pc) =	sbr.rel @p0 .LBB2_1-.Ltmp0, $4  }
0x67: {  	[hbm4b:s5+s3] =	stream.linear.scatter [tilespmem:s8], [sflag:$0x2], $0x8000, $0x38;
	[tilespmem:$0x8080] =	vst v63  }
0x68: {  	_ =	swait.ge [sflag:s7], $0x8000  }
0x69: {  	[sflag:s7] =	ssyncset.done $0x0  }
0x6a: {  	s6 =	sadd.s32 $0xFFFFFFFF, s6;
	[sflag:s7] =	ssyncadd.s32 $0xFFFF8000  }
0x6b: {  	_ =	sfence.sel $0x180000  }
0x6c: {  	[bflag:$0x0] =	sbarrier.arrive $0xFFFF  }
0x6d: {  	p0 =	sne.s32 s2, $0x0;
	_ =	strace $0x90000047  }
0x6e: {  	s0 =	sadd.s32 @!p0 $0x100000, s0;
	[bflag:$0x2] =	sbarrier.arrive $0xFFFF  }
0x6f: {  	[sflag:s0] =	ssyncadd.tile.s32 @!p0 $0x1;
	_ =	shalt  }
.Lfunc_end2:
_tile_overlayer_lowered:
.L_overlay_start_2:
0x70: {  	(tag) =	ssettag $0x2  }
0x71: {  	s0 =	rddreg [dreg:$0x0];
	s2 =	stileid.u32  }
0x72: {  	s1 =	rddreg [dreg:$0x1];
	p0 =	sne.s32 s2, $0x0  }
0x73: {  	s3 =	rddreg [dreg:$0x2];
	[bflag:$0x3] =	sbarrier.arrive $0xFFFF;
	s2 =	simm.s32 @!p0 $0x1C02  }
0x74: {  	[timem:s3], [sflag:s2] =	dma.local @!p0 [hbm:s0], s1  }
0x75: {  	s0 =	simm.s32 @!p0 $0x2  }
0x76: {  	_ =	swait.ge @!p0 [sflag:s0], s1  }
0x77: {  	s1 =	ssub.s32 @!p0 $0x0, s1;
	[sflag:s0] =	ssyncset.done @!p0 $0x0  }
0x78: {  	[sflag:s0] =	ssyncadd.s32 @!p0 s1  }
0x79: {  	[bflag:$0x3] =	sbarrier.arrive $0xFFFF  }
0x7a: {  	_ =	shalt  }

</sc_bundles>
